<compile_context>
chip_gen: v7x
topology: tpu7x:2x2x1
jax: 0.10.2.dev20260603
libtpu: 0.0.44.dev20260713+nightly
codegen_flags: <defaults>
</compile_context>

<pallas_src>
import functools

import jax
import jax.numpy as jnp
from jax import lax
from jax.experimental import pallas as pl
from jax.experimental.pallas import tpu as pltpu
from jax.experimental.pallas import tpu_sc as plsc

_NC = 2
_NS = 16
_NW = _NC * _NS
_C = 128


def _mesh():
    return plsc.VectorSubcoreMesh(core_axis_name="c", subcore_axis_name="s")


def _sc_segment_sum(m, src3, dst3, n_pad):
    n, h = m.shape
    nchunk = src3.shape[1]
    rows_per_tile = n_pad // _NS
    assert rows_per_tile % _C == 0 and rows_per_tile % 8 == 0

    @functools.partial(
        pl.kernel,
        out_type=jax.ShapeDtypeStruct((_NC, n_pad, h), jnp.float32),
        mesh=_mesh(),
        scratch_types=[
            pltpu.VMEM((nchunk, _C), jnp.int32),
            pltpu.VMEM((nchunk, _C), jnp.int32),
            pltpu.VMEM((_C, h), jnp.float32),
            pltpu.VMEM_SHARED((n_pad, h), jnp.float32),
            pltpu.SemaphoreType.DMA,
        ],
    )
    def seg(m_hbm, src_hbm, dst_hbm, out_hbm, sidx, didx, rows, acc, sem):
        cid = lax.axis_index("c")
        sid = lax.axis_index("s")
        wid = sid * _NC + cid
        row0 = sid * rows_per_tile

        z16 = jnp.zeros((16,), jnp.float32)

        @pl.loop(0, _C)
        def _zero(i):
            for k in range(h // 16):
                rows[i, pl.ds(k * 16, 16)] = z16

        for k in range(rows_per_tile // _C):
            pltpu.sync_copy(rows, acc.at[pl.ds(row0 + k * _C, _C)])
        plsc.subcore_barrier()

        pltpu.sync_copy(src_hbm.at[wid], sidx)
        pltpu.sync_copy(dst_hbm.at[wid], didx)

        @pl.loop(0, nchunk, unroll=1)
        def _edge_chunk(j):
            pltpu.async_copy(m_hbm.at[sidx.at[j]], rows, sem).wait()
            pltpu.sync_copy(rows, acc.at[didx.at[j]], add=True)

        plsc.subcore_barrier()
        pltpu.sync_copy(acc.at[pl.ds(row0, rows_per_tile)],
                        out_hbm.at[cid, pl.ds(row0, rows_per_tile)])

    return seg(m, src3, dst3)


def _sc_gather_pairs(uv, es, ed):
    n, w = uv.shape
    q = es.shape[0]
    rpw = q // _NW

    @functools.partial(
        pl.kernel,
        out_type=(jax.ShapeDtypeStruct((q, w), jnp.float32),
                  jax.ShapeDtypeStruct((q, w), jnp.float32)),
        mesh=_mesh(),
        scratch_types=[
            pltpu.VMEM((rpw,), jnp.int32),
            pltpu.VMEM((rpw,), jnp.int32),
            pltpu.VMEM((rpw, w), jnp.float32),
            pltpu.VMEM((rpw, w), jnp.float32),
            pltpu.SemaphoreType.DMA,
            pltpu.SemaphoreType.DMA,
        ],
    )
    def gat(uv_hbm, es_hbm, ed_hbm, os_hbm, od_hbm, i1, i2, r1, r2, s1, s2):
        cid = lax.axis_index("c")
        sid = lax.axis_index("s")
        base = (sid * _NC + cid) * rpw
        pltpu.sync_copy(es_hbm.at[pl.ds(base, rpw)], i1)
        pltpu.sync_copy(ed_hbm.at[pl.ds(base, rpw)], i2)
        c1 = pltpu.async_copy(uv_hbm.at[i1], r1, s1)
        c2 = pltpu.async_copy(uv_hbm.at[i2], r2, s2)
        c1.wait()
        c2.wait()
        pltpu.sync_copy(r1, os_hbm.at[pl.ds(base, rpw)])
        pltpu.sync_copy(r2, od_hbm.at[pl.ds(base, rpw)])

    return gat(uv, es, ed)


def _tc_node_linear(x, W, b):
    n = x.shape[0]

    def body(x_ref, w_ref, b_ref, o_ref):
        o_ref[...] = jnp.maximum(
            jnp.dot(x_ref[...], w_ref[...],
                    preferred_element_type=jnp.float32) + b_ref[...], 0.0)

    return pl.pallas_call(
        body, out_shape=jax.ShapeDtypeStruct((n, W.shape[1]), jnp.float32),
    )(x, W, b.reshape(1, -1))


def _sage_update(parts_ref, h_ref, wa_ref, ba_ref, hdim):
    n = h_ref.shape[0]
    aggr = parts_ref[0, 0:n] + parts_ref[1, 0:n]
    hp = h_ref[...]
    t = (jnp.dot(aggr, wa_ref[0:hdim], preferred_element_type=jnp.float32)
         + jnp.dot(hp, wa_ref[hdim:2 * hdim],
                   preferred_element_type=jnp.float32)
         + ba_ref[...])
    t = jnp.maximum(t, 0.0)
    nrm = jnp.sqrt(jnp.sum(t * t, axis=1, keepdims=True))
    return t / jnp.maximum(nrm, 1e-12)


def _tc_update_and_msg(parts, h_prev, W_agg, b_agg, W_lin, b_lin):
    n, hdim = h_prev.shape

    def body(p_ref, h_ref, wa_ref, ba_ref, wl_ref, bl_ref, oh_ref, om_ref):
        hnew = _sage_update(p_ref, h_ref, wa_ref, ba_ref, hdim)
        oh_ref[...] = hnew
        om_ref[...] = jnp.maximum(
            jnp.dot(hnew, wl_ref[...],
                    preferred_element_type=jnp.float32) + bl_ref[...], 0.0)

    return pl.pallas_call(
        body,
        out_shape=(jax.ShapeDtypeStruct((n, hdim), jnp.float32),
                   jax.ShapeDtypeStruct((n, hdim), jnp.float32)),
    )(parts, h_prev, W_agg, b_agg.reshape(1, -1), W_lin, b_lin.reshape(1, -1))


def _tc_final_uv(parts, h_prev, W_agg, b_agg, mp_W1, mp_W2):
    n, hdim = h_prev.shape
    o = mp_W2.shape[1]

    def body(p_ref, h_ref, wa_ref, ba_ref, w1_ref, w2_ref, o_ref):
        h2 = _sage_update(p_ref, h_ref, wa_ref, ba_ref, hdim)
        w2 = w2_ref[...]
        wu = jnp.dot(w1_ref[0:hdim], w2, preferred_element_type=jnp.float32)
        wv = jnp.dot(w1_ref[hdim:2 * hdim], w2,
                     preferred_element_type=jnp.float32)
        wc = jnp.concatenate(
            [wu, jnp.zeros((hdim, 16 - o), jnp.float32),
             wv, jnp.zeros((hdim, 128 - 16 - o), jnp.float32)], axis=1)
        o_ref[...] = jnp.dot(h2, wc, preferred_element_type=jnp.float32)

    return pl.pallas_call(
        body, out_shape=jax.ShapeDtypeStruct((n, 128), jnp.float32),
    )(parts, h_prev, W_agg, b_agg.reshape(1, -1), mp_W1, mp_W2)


def _tc_logits(gs, gd, mp_b1, mp_W2, mp_b2):
    q = gs.shape[0]
    o = mp_W2.shape[1]

    def body(gs_ref, gd_ref, b1_ref, w2_ref, b2_ref, o_ref):
        c = jnp.dot(b1_ref[...], w2_ref[...],
                    preferred_element_type=jnp.float32) + b2_ref[...]
        z = gs_ref[:, 0:o] + gd_ref[:, 16:16 + o] + c
        mx = jnp.max(z, axis=1, keepdims=True)
        lse = mx + jnp.log(jnp.sum(jnp.exp(z - mx), axis=1, keepdims=True))
        o_ref[...] = z - lse

    return pl.pallas_call(
        body, out_shape=jax.ShapeDtypeStruct((q, o), jnp.float32),
    )(gs, gd, mp_b1.reshape(1, -1), mp_W2, mp_b2.reshape(1, -1))


def kernel(x, edge_index, batch, eval_edges,
           lin_W0, lin_b0, agg_W0, agg_b0,
           lin_W1, lin_b1, agg_W1, agg_b1,
           mp_W1, mp_b1, mp_W2, mp_b2):
    n = x.shape[0]
    e = edge_index.shape[1]
    src = edge_index[0].astype(jnp.int32)
    dst = edge_index[1].astype(jnp.int32)

    grp = _NW * _C
    e_pad = ((e + grp - 1) // grp) * grp
    pad = e_pad - e
    grp_n = _NS * 128
    n_pad = ((n + grp_n - 1) // grp_n) * grp_n
    if pad:
        src = jnp.concatenate([src, jnp.zeros((pad,), jnp.int32)])
        fill = n + jnp.arange(pad, dtype=jnp.int32) % (n_pad - n)
        dst = jnp.concatenate([dst, fill])
    src3 = src.reshape(_NW, -1, _C)
    dst3 = dst.reshape(_NW, -1, _C)

    m0 = _tc_node_linear(x, lin_W0, lin_b0)
    parts0 = _sc_segment_sum(m0, src3, dst3, n_pad)
    h1, m1 = _tc_update_and_msg(parts0, x, agg_W0, agg_b0, lin_W1, lin_b1)
    parts1 = _sc_segment_sum(m1, src3, dst3, n_pad)
    uv = _tc_final_uv(parts1, h1, agg_W1, agg_b1, mp_W1, mp_W2)
    es = eval_edges[0].astype(jnp.int32)
    ed = eval_edges[1].astype(jnp.int32)
    gs, gd = _sc_gather_pairs(uv, es, ed)
    return _tc_logits(gs, gd, mp_b1, mp_W2, mp_b2)

# --- scband reference (transcript-rebuilt; emitter-appended) ---
"""Pipeline reference for scband-gnnstack-17635135717620 (READ-ONLY COPY).

The authoritative reference and input builder live on the scoring server;
editing this copy changes nothing except your own understanding.
"""

import jax, jax.numpy as jnp
import numpy as np

N = 10000
E = 320000
D = 128
H = 128
O = 2
Q = 4096


def setup_inputs(seed: int = 0) -> dict:
    key = jax.random.key(seed)
    ks = jax.random.split(key, 16)
    x = jax.random.normal(ks[0], (N, D), dtype=jnp.float32)
    edge_index = jax.random.randint(ks[1], (2, E), 0, N)
    batch = jnp.zeros((N,), dtype=jnp.int32)
    eval_edges = jax.random.randint(ks[2], (2, Q), 0, N)
    s = 0.05
    # GraphSage layer 0: lin (D->H), agg_lin (D+H -> H)
    lin_W0 = jax.random.normal(ks[3], (D, H), dtype=jnp.float32) * s
    lin_b0 = jnp.zeros((H,), dtype=jnp.float32)
    agg_W0 = jax.random.normal(ks[4], (D + H, H), dtype=jnp.float32) * s
    agg_b0 = jnp.zeros((H,), dtype=jnp.float32)
    # GraphSage layer 1: lin (H->H), agg_lin (2H -> H)
    lin_W1 = jax.random.normal(ks[5], (H, H), dtype=jnp.float32) * s
    lin_b1 = jnp.zeros((H,), dtype=jnp.float32)
    agg_W1 = jax.random.normal(ks[6], (2 * H, H), dtype=jnp.float32) * s
    agg_b1 = jnp.zeros((H,), dtype=jnp.float32)
    # post_mp: Linear(2H -> H), Linear(H -> O)
    mp_W1 = jax.random.normal(ks[7], (2 * H, H), dtype=jnp.float32) * s
    mp_b1 = jnp.zeros((H,), dtype=jnp.float32)
    mp_W2 = jax.random.normal(ks[8], (H, O), dtype=jnp.float32) * s
    mp_b2 = jnp.zeros((O,), dtype=jnp.float32)
    return {
        "x": x, "edge_index": edge_index, "batch": batch, "eval_edges": eval_edges,
        "lin_W0": lin_W0, "lin_b0": lin_b0, "agg_W0": agg_W0, "agg_b0": agg_b0,
        "lin_W1": lin_W1, "lin_b1": lin_b1, "agg_W1": agg_W1, "agg_b1": agg_b1,
        "mp_W1": mp_W1, "mp_b1": mp_b1, "mp_W2": mp_W2, "mp_b2": mp_b2,
    }


def _sage_layer(h, edge_index, W_lin, b_lin, W_agg, b_agg, num_nodes):
    src = edge_index[0]
    dst = edge_index[1]
    # message: relu(lin(x_j)) where x_j = x[src]
    x_j = jnp.take(h, src, axis=0)
    msg = jax.nn.relu(x_j @ W_lin + b_lin)
    # aggregate (aggr='add') at dst nodes
    aggr = jax.ops.segment_sum(msg, dst, num_segments=num_nodes)
    # update: relu(agg_lin(cat(aggr_out, x))), then L2 normalize rows
    out = jnp.concatenate([aggr, h], axis=1)
    out = jax.nn.relu(out @ W_agg + b_agg)
    norm = jnp.linalg.norm(out, axis=1, keepdims=True)
    out = out / jnp.maximum(norm, 1e-12)
    return out


def reference(x, edge_index, batch, eval_edges,
              lin_W0, lin_b0, agg_W0, agg_b0,
              lin_W1, lin_b1, agg_W1, agg_b1,
              mp_W1, mp_b1, mp_W2, mp_b2):
    num_nodes = x.shape[0]
    h = _sage_layer(x, edge_index, lin_W0, lin_b0, agg_W0, agg_b0, num_nodes)
    h = jax.nn.relu(h)  # dropout p=0.0 in eval -> identity
    h = _sage_layer(h, edge_index, lin_W1, lin_b1, agg_W1, agg_b1, num_nodes)
    h = jax.nn.relu(h)
    # edge_concats: cat(x[eval_edges[0][c]], x[eval_edges[1][c]]) for each eval edge
    e_src = jnp.take(h, eval_edges[0], axis=0)
    e_dst = jnp.take(h, eval_edges[1], axis=0)
    ec = jnp.concatenate([e_src, e_dst], axis=1)
    # post_mp: Linear -> Dropout(eval) -> Linear
    z = ec @ mp_W1 + mp_b1
    z = z @ mp_W2 + mp_b2
    return jax.nn.log_softmax(z, axis=1)

if __name__ == "__main__":
    import jax
    _d = setup_inputs()
    print(jax.jit(kernel)(*tuple(_d.values())))

</pallas_src>

<mosaic_0001>
#map = affine_map<(d0, d1) -> (0, 0)>
#map1 = affine_map<(d0, d1) -> (0, 0, 0)>
module attributes {stable_mosaic.version = 14 : i64} {
  func.func @seg(%arg0: i32, %arg1: i32, %arg2: memref<10000x128xf32, #tpu.memory_space<hbm>>, %arg3: memref<32x79x128xi32, #tpu.memory_space<hbm>>, %arg4: memref<32x79x128xi32, #tpu.memory_space<hbm>>, %arg5: memref<2x10240x128xf32, #tpu.memory_space<hbm>>, %arg6: memref<79x128xi32, #tpu.memory_space<vmem>>, %arg7: memref<79x128xi32, #tpu.memory_space<vmem>>, %arg8: memref<128x128xf32, #tpu.memory_space<vmem>>, %arg9: memref<10240x128xf32, #tpu.memory_space<vmem_shared>>, %arg10: memref<!tpu.dma_semaphore, #tpu.memory_space<semaphore_mem>>) attributes {dimension_semantics = [#tpu.dimension_semantics<core_parallel>, #tpu.dimension_semantics<subcore_parallel>], iteration_bounds = array<i64: 2, 16>, scalar_prefetch = 0 : i64, scratch_operands = 5 : i64, tpu.core_type = #tpu.core_type<sc_vector_subcore>, window_params = [{transform_indices = #map}, {transform_indices = #map1}, {transform_indices = #map1}, {transform_indices = #map1}]} {
    %mul3A = arith.constant 2 : i32
    %mul3A_0 = arith.muli %arg1, %mul3A : i32
    %add3A = arith.addi %mul3A_0, %arg0 : i32
    %mul3A_1 = arith.constant 640 : i32
    %mul3A_2 = arith.muli %arg1, %mul3A_1 : i32
    %broadcast_in_dim3A = arith.constant 0.000000e+00 : f32
    %broadcast_in_dim3A_3 = vector.broadcast %broadcast_in_dim3A : f32 to vector<16xf32>
    %scan3A = arith.constant 0 : i32
    %scan3A_4 = arith.constant 128 : i32
    %scan3A_5 = arith.addi %scan3A, %scan3A_4 : i32
    %scan3A_6 = arith.constant 1 : i32
    scf.for %scan3A_24 = %scan3A to %scan3A_5 step %scan3A_6  : i32 {
      %mul3A_25 = arith.constant 1 : i32
      %mul3A_26 = arith.muli %scan3A_24, %mul3A_25 : i32
      %add3A_27 = arith.constant 0 : i32
      %add3A_28 = arith.addi %add3A_27, %mul3A_26 : i32
      %swap3A = arith.index_cast %add3A_28 : i32 to index
      %swap3A_29 = arith.constant 0 : index
      %swap3A_30 = tpu.vector_load %arg8[%swap3A, %swap3A_29] {strides = array<i32>} : memref<128x128xf32, #tpu.memory_space<vmem>>, vector<1x16xf32>,
      %swap3A_31 = vector.shape_cast %swap3A_30 : vector<1x16xf32> to vector<16xf32>
      %swap3A_32 = vector.shape_cast %broadcast_in_dim3A_3 : vector<16xf32> to vector<1x16xf32>
      tpu.vector_store %arg8[%swap3A, %swap3A_29], %swap3A_32 {strides = array<i32>} : memref<128x128xf32, #tpu.memory_space<vmem>>, vector<1x16xf32>,
      %swap3A_33 = arith.index_cast %add3A_28 : i32 to index
      %swap3A_34 = arith.constant 16 : index
      %swap3A_35 = tpu.vector_load %arg8[%swap3A_33, %swap3A_34] {strides = array<i32>} : memref<128x128xf32, #tpu.memory_space<vmem>>, vector<1x16xf32>,
      %swap3A_36 = vector.shape_cast %swap3A_35 : vector<1x16xf32> to vector<16xf32>
      %swap3A_37 = vector.shape_cast %broadcast_in_dim3A_3 : vector<16xf32> to vector<1x16xf32>
      tpu.vector_store %arg8[%swap3A_33, %swap3A_34], %swap3A_37 {strides = array<i32>} : memref<128x128xf32, #tpu.memory_space<vmem>>, vector<1x16xf32>,
      %swap3A_38 = arith.index_cast %add3A_28 : i32 to index
      %swap3A_39 = arith.constant 32 : index
      %swap3A_40 = tpu.vector_load %arg8[%swap3A_38, %swap3A_39] {strides = array<i32>} : memref<128x128xf32, #tpu.memory_space<vmem>>, vector<1x16xf32>,
      %swap3A_41 = vector.shape_cast %swap3A_40 : vector<1x16xf32> to vector<16xf32>
      %swap3A_42 = vector.shape_cast %broadcast_in_dim3A_3 : vector<16xf32> to vector<1x16xf32>
      tpu.vector_store %arg8[%swap3A_38, %swap3A_39], %swap3A_42 {strides = array<i32>} : memref<128x128xf32, #tpu.memory_space<vmem>>, vector<1x16xf32>,
      %swap3A_43 = arith.index_cast %add3A_28 : i32 to index
      %swap3A_44 = arith.constant 48 : index
      %swap3A_45 = tpu.vector_load %arg8[%swap3A_43, %swap3A_44] {strides = array<i32>} : memref<128x128xf32, #tpu.memory_space<vmem>>, vector<1x16xf32>,
      %swap3A_46 = vector.shape_cast %swap3A_45 : vector<1x16xf32> to vector<16xf32>
      %swap3A_47 = vector.shape_cast %broadcast_in_dim3A_3 : vector<16xf32> to vector<1x16xf32>
      tpu.vector_store %arg8[%swap3A_43, %swap3A_44], %swap3A_47 {strides = array<i32>} : memref<128x128xf32, #tpu.memory_space<vmem>>, vector<1x16xf32>,
      %swap3A_48 = arith.index_cast %add3A_28 : i32 to index
      %swap3A_49 = arith.constant 64 : index
      %swap3A_50 = tpu.vector_load %arg8[%swap3A_48, %swap3A_49] {strides = array<i32>} : memref<128x128xf32, #tpu.memory_space<vmem>>, vector<1x16xf32>,
      %swap3A_51 = vector.shape_cast %swap3A_50 : vector<1x16xf32> to vector<16xf32>
      %swap3A_52 = vector.shape_cast %broadcast_in_dim3A_3 : vector<16xf32> to vector<1x16xf32>
      tpu.vector_store %arg8[%swap3A_48, %swap3A_49], %swap3A_52 {strides = array<i32>} : memref<128x128xf32, #tpu.memory_space<vmem>>, vector<1x16xf32>,
      %swap3A_53 = arith.index_cast %add3A_28 : i32 to index
      %swap3A_54 = arith.constant 80 : index
      %swap3A_55 = tpu.vector_load %arg8[%swap3A_53, %swap3A_54] {strides = array<i32>} : memref<128x128xf32, #tpu.memory_space<vmem>>, vector<1x16xf32>,
      %swap3A_56 = vector.shape_cast %swap3A_55 : vector<1x16xf32> to vector<16xf32>
      %swap3A_57 = vector.shape_cast %broadcast_in_dim3A_3 : vector<16xf32> to vector<1x16xf32>
      tpu.vector_store %arg8[%swap3A_53, %swap3A_54], %swap3A_57 {strides = array<i32>} : memref<128x128xf32, #tpu.memory_space<vmem>>, vector<1x16xf32>,
      %swap3A_58 = arith.index_cast %add3A_28 : i32 to index
      %swap3A_59 = arith.constant 96 : index
      %swap3A_60 = tpu.vector_load %arg8[%swap3A_58, %swap3A_59] {strides = array<i32>} : memref<128x128xf32, #tpu.memory_space<vmem>>, vector<1x16xf32>,
      %swap3A_61 = vector.shape_cast %swap3A_60 : vector<1x16xf32> to vector<16xf32>
      %swap3A_62 = vector.shape_cast %broadcast_in_dim3A_3 : vector<16xf32> to vector<1x16xf32>
      tpu.vector_store %arg8[%swap3A_58, %swap3A_59], %swap3A_62 {strides = array<i32>} : memref<128x128xf32, #tpu.memory_space<vmem>>, vector<1x16xf32>,
      %swap3A_63 = arith.index_cast %add3A_28 : i32 to index
      %swap3A_64 = arith.constant 112 : index
      %swap3A_65 = tpu.vector_load %arg8[%swap3A_63, %swap3A_64] {strides = array<i32>} : memref<128x128xf32, #tpu.memory_space<vmem>>, vector<1x16xf32>,
      %swap3A_66 = vector.shape_cast %swap3A_65 : vector<1x16xf32> to vector<16xf32>
      %swap3A_67 = vector.shape_cast %broadcast_in_dim3A_3 : vector<16xf32> to vector<1x16xf32>
      tpu.vector_store %arg8[%swap3A_63, %swap3A_64], %swap3A_67 {strides = array<i32>} : memref<128x128xf32, #tpu.memory_space<vmem>>, vector<1x16xf32>,
    }
    %scan3A_7 = arith.constant 128 : i32
    %add3A_8 = arith.constant 0 : i32
    %add3A_9 = arith.addi %mul3A_2, %add3A_8 : i32
    "tpu.region"() ({
      %run_scoped3A = tpu.sem_alloc : memref<!tpu.dma_semaphore, #tpu.memory_space<semaphore_mem>>
      %dma_start3A = arith.constant 0 : i32
      %dma_start3A_24 = tpu.memref_slice %arg9[%add3A_9, %dma_start3A] : memref<10240x128xf32, #tpu.memory_space<vmem_shared>> -> memref<128x128xf32, #tpu.memory_space<vmem_shared>>
      %dma_start3A_25 = arith.constant 0 : i32
      %dma_start3A_26 = tpu.memref_slice %arg9[%add3A_9, %dma_start3A_25] : memref<10240x128xf32, #tpu.memory_space<vmem_shared>> -> memref<128x128xf32, #tpu.memory_space<vmem_shared>>
      tpu.enqueue_dma source(%arg8 : memref<128x128xf32, #tpu.memory_space<vmem>>) target(%dma_start3A_26 : memref<128x128xf32, #tpu.memory_space<vmem_shared>>) target_semaphore(%run_scoped3A : memref<!tpu.dma_semaphore, #tpu.memory_space<semaphore_mem>>)
      %dma_wait3A = arith.constant 0 : i32
      %dma_wait3A_27 = tpu.memref_slice %arg9[%add3A_9, %dma_wait3A] : memref<10240x128xf32, #tpu.memory_space<vmem_shared>> -> memref<128x128xf32, #tpu.memory_space<vmem_shared>>
      %dma_wait3A_28 = arith.constant 0 : i32
      %dma_wait3A_29 = tpu.memref_slice %arg9[%add3A_9, %dma_wait3A_28] : memref<10240x128xf32, #tpu.memory_space<vmem_shared>> -> memref<128x128xf32, #tpu.memory_space<vmem_shared>>
      tpu.wait_dma2 semaphore(%run_scoped3A : memref<!tpu.dma_semaphore, #tpu.memory_space<semaphore_mem>>) src(%arg8 : memref<128x128xf32, #tpu.memory_space<vmem>>) dst(%dma_wait3A_29 : memref<128x128xf32, #tpu.memory_space<vmem_shared>>)
      tpu.yield
    }) : () -> ()
    %add3A_10 = arith.constant 128 : i32
    %add3A_11 = arith.addi %mul3A_2, %add3A_10 : i32
    "tpu.region"() ({
      %run_scoped3A = tpu.sem_alloc : memref<!tpu.dma_semaphore, #tpu.memory_space<semaphore_mem>>
      %dma_start3A = arith.constant 0 : i32
      %dma_start3A_24 = tpu.memref_slice %arg9[%add3A_11, %dma_start3A] : memref<10240x128xf32, #tpu.memory_space<vmem_shared>> -> memref<128x128xf32, #tpu.memory_space<vmem_shared>>
      %dma_start3A_25 = arith.constant 0 : i32
      %dma_start3A_26 = tpu.memref_slice %arg9[%add3A_11, %dma_start3A_25] : memref<10240x128xf32, #tpu.memory_space<vmem_shared>> -> memref<128x128xf32, #tpu.memory_space<vmem_shared>>
      tpu.enqueue_dma source(%arg8 : memref<128x128xf32, #tpu.memory_space<vmem>>) target(%dma_start3A_26 : memref<128x128xf32, #tpu.memory_space<vmem_shared>>) target_semaphore(%run_scoped3A : memref<!tpu.dma_semaphore, #tpu.memory_space<semaphore_mem>>)
      %dma_wait3A = arith.constant 0 : i32
      %dma_wait3A_27 = tpu.memref_slice %arg9[%add3A_11, %dma_wait3A] : memref<10240x128xf32, #tpu.memory_space<vmem_shared>> -> memref<128x128xf32, #tpu.memory_space<vmem_shared>>
      %dma_wait3A_28 = arith.constant 0 : i32
      %dma_wait3A_29 = tpu.memref_slice %arg9[%add3A_11, %dma_wait3A_28] : memref<10240x128xf32, #tpu.memory_space<vmem_shared>> -> memref<128x128xf32, #tpu.memory_space<vmem_shared>>
      tpu.wait_dma2 semaphore(%run_scoped3A : memref<!tpu.dma_semaphore, #tpu.memory_space<semaphore_mem>>) src(%arg8 : memref<128x128xf32, #tpu.memory_space<vmem>>) dst(%dma_wait3A_29 : memref<128x128xf32, #tpu.memory_space<vmem_shared>>)
      tpu.yield
    }) : () -> ()
    %add3A_12 = arith.constant 256 : i32
    %add3A_13 = arith.addi %mul3A_2, %add3A_12 : i32
    "tpu.region"() ({
      %run_scoped3A = tpu.sem_alloc : memref<!tpu.dma_semaphore, #tpu.memory_space<semaphore_mem>>
      %dma_start3A = arith.constant 0 : i32
      %dma_start3A_24 = tpu.memref_slice %arg9[%add3A_13, %dma_start3A] : memref<10240x128xf32, #tpu.memory_space<vmem_shared>> -> memref<128x128xf32, #tpu.memory_space<vmem_shared>>
      %dma_start3A_25 = arith.constant 0 : i32
      %dma_start3A_26 = tpu.memref_slice %arg9[%add3A_13, %dma_start3A_25] : memref<10240x128xf32, #tpu.memory_space<vmem_shared>> -> memref<128x128xf32, #tpu.memory_space<vmem_shared>>
      tpu.enqueue_dma source(%arg8 : memref<128x128xf32, #tpu.memory_space<vmem>>) target(%dma_start3A_26 : memref<128x128xf32, #tpu.memory_space<vmem_shared>>) target_semaphore(%run_scoped3A : memref<!tpu.dma_semaphore, #tpu.memory_space<semaphore_mem>>)
      %dma_wait3A = arith.constant 0 : i32
      %dma_wait3A_27 = tpu.memref_slice %arg9[%add3A_13, %dma_wait3A] : memref<10240x128xf32, #tpu.memory_space<vmem_shared>> -> memref<128x128xf32, #tpu.memory_space<vmem_shared>>
      %dma_wait3A_28 = arith.constant 0 : i32
      %dma_wait3A_29 = tpu.memref_slice %arg9[%add3A_13, %dma_wait3A_28] : memref<10240x128xf32, #tpu.memory_space<vmem_shared>> -> memref<128x128xf32, #tpu.memory_space<vmem_shared>>
      tpu.wait_dma2 semaphore(%run_scoped3A : memref<!tpu.dma_semaphore, #tpu.memory_space<semaphore_mem>>) src(%arg8 : memref<128x128xf32, #tpu.memory_space<vmem>>) dst(%dma_wait3A_29 : memref<128x128xf32, #tpu.memory_space<vmem_shared>>)
      tpu.yield
    }) : () -> ()
    %add3A_14 = arith.constant 384 : i32
    %add3A_15 = arith.addi %mul3A_2, %add3A_14 : i32
    "tpu.region"() ({
      %run_scoped3A = tpu.sem_alloc : memref<!tpu.dma_semaphore, #tpu.memory_space<semaphore_mem>>
      %dma_start3A = arith.constant 0 : i32
      %dma_start3A_24 = tpu.memref_slice %arg9[%add3A_15, %dma_start3A] : memref<10240x128xf32, #tpu.memory_space<vmem_shared>> -> memref<128x128xf32, #tpu.memory_space<vmem_shared>>
      %dma_start3A_25 = arith.constant 0 : i32
      %dma_start3A_26 = tpu.memref_slice %arg9[%add3A_15, %dma_start3A_25] : memref<10240x128xf32, #tpu.memory_space<vmem_shared>> -> memref<128x128xf32, #tpu.memory_space<vmem_shared>>
      tpu.enqueue_dma source(%arg8 : memref<128x128xf32, #tpu.memory_space<vmem>>) target(%dma_start3A_26 : memref<128x128xf32, #tpu.memory_space<vmem_shared>>) target_semaphore(%run_scoped3A : memref<!tpu.dma_semaphore, #tpu.memory_space<semaphore_mem>>)
      %dma_wait3A = arith.constant 0 : i32
      %dma_wait3A_27 = tpu.memref_slice %arg9[%add3A_15, %dma_wait3A] : memref<10240x128xf32, #tpu.memory_space<vmem_shared>> -> memref<128x128xf32, #tpu.memory_space<vmem_shared>>
      %dma_wait3A_28 = arith.constant 0 : i32
      %dma_wait3A_29 = tpu.memref_slice %arg9[%add3A_15, %dma_wait3A_28] : memref<10240x128xf32, #tpu.memory_space<vmem_shared>> -> memref<128x128xf32, #tpu.memory_space<vmem_shared>>
      tpu.wait_dma2 semaphore(%run_scoped3A : memref<!tpu.dma_semaphore, #tpu.memory_space<semaphore_mem>>) src(%arg8 : memref<128x128xf32, #tpu.memory_space<vmem>>) dst(%dma_wait3A_29 : memref<128x128xf32, #tpu.memory_space<vmem_shared>>)
      tpu.yield
    }) : () -> ()
    %add3A_16 = arith.constant 512 : i32
    %add3A_17 = arith.addi %mul3A_2, %add3A_16 : i32
    "tpu.region"() ({
      %run_scoped3A = tpu.sem_alloc : memref<!tpu.dma_semaphore, #tpu.memory_space<semaphore_mem>>
      %dma_start3A = arith.constant 0 : i32
      %dma_start3A_24 = tpu.memref_slice %arg9[%add3A_17, %dma_start3A] : memref<10240x128xf32, #tpu.memory_space<vmem_shared>> -> memref<128x128xf32, #tpu.memory_space<vmem_shared>>
      %dma_start3A_25 = arith.constant 0 : i32
      %dma_start3A_26 = tpu.memref_slice %arg9[%add3A_17, %dma_start3A_25] : memref<10240x128xf32, #tpu.memory_space<vmem_shared>> -> memref<128x128xf32, #tpu.memory_space<vmem_shared>>
      tpu.enqueue_dma source(%arg8 : memref<128x128xf32, #tpu.memory_space<vmem>>) target(%dma_start3A_26 : memref<128x128xf32, #tpu.memory_space<vmem_shared>>) target_semaphore(%run_scoped3A : memref<!tpu.dma_semaphore, #tpu.memory_space<semaphore_mem>>)
      %dma_wait3A = arith.constant 0 : i32
      %dma_wait3A_27 = tpu.memref_slice %arg9[%add3A_17, %dma_wait3A] : memref<10240x128xf32, #tpu.memory_space<vmem_shared>> -> memref<128x128xf32, #tpu.memory_space<vmem_shared>>
      %dma_wait3A_28 = arith.constant 0 : i32
      %dma_wait3A_29 = tpu.memref_slice %arg9[%add3A_17, %dma_wait3A_28] : memref<10240x128xf32, #tpu.memory_space<vmem_shared>> -> memref<128x128xf32, #tpu.memory_space<vmem_shared>>
      tpu.wait_dma2 semaphore(%run_scoped3A : memref<!tpu.dma_semaphore, #tpu.memory_space<semaphore_mem>>) src(%arg8 : memref<128x128xf32, #tpu.memory_space<vmem>>) dst(%dma_wait3A_29 : memref<128x128xf32, #tpu.memory_space<vmem_shared>>)
      tpu.yield
    }) : () -> ()
    %barrier3A = arith.constant 0 : index
    tpu.barrier barrier_id(%barrier3A)
    "tpu.region"() ({
      %run_scoped3A = tpu.sem_alloc : memref<!tpu.dma_semaphore, #tpu.memory_space<semaphore_mem>>
      %dma_start3A = arith.constant 0 : i32
      %dma_start3A_24 = arith.constant 0 : i32
      %dma_start3A_25 = tpu.memref_slice %arg3[%add3A, %dma_start3A, %dma_start3A_24] : memref<32x79x128xi32, #tpu.memory_space<hbm>> -> memref<1x79x128xi32, #tpu.memory_space<hbm>>
      %dma_start3A_26 = tpu.memref_squeeze %dma_start3A_25 : memref<1x79x128xi32, #tpu.memory_space<hbm>> -> memref<79x128xi32, #tpu.memory_space<hbm>>
      %dma_start3A_27 = arith.constant 0 : i32
      %dma_start3A_28 = arith.constant 0 : i32
      %dma_start3A_29 = tpu.memref_slice %arg3[%add3A, %dma_start3A_27, %dma_start3A_28] : memref<32x79x128xi32, #tpu.memory_space<hbm>> -> memref<1x79x128xi32, #tpu.memory_space<hbm>>
      %dma_start3A_30 = tpu.memref_squeeze %dma_start3A_29 : memref<1x79x128xi32, #tpu.memory_space<hbm>> -> memref<79x128xi32, #tpu.memory_space<hbm>>
      tpu.enqueue_dma source(%dma_start3A_30 : memref<79x128xi32, #tpu.memory_space<hbm>>) target(%arg6 : memref<79x128xi32, #tpu.memory_space<vmem>>) target_semaphore(%run_scoped3A : memref<!tpu.dma_semaphore, #tpu.memory_space<semaphore_mem>>)
      %dma_wait3A = arith.constant 0 : i32
      %dma_wait3A_31 = arith.constant 0 : i32
      %dma_wait3A_32 = tpu.memref_slice %arg3[%add3A, %dma_wait3A, %dma_wait3A_31] : memref<32x79x128xi32, #tpu.memory_space<hbm>> -> memref<1x79x128xi32, #tpu.memory_space<hbm>>
      %dma_wait3A_33 = tpu.memref_squeeze %dma_wait3A_32 : memref<1x79x128xi32, #tpu.memory_space<hbm>> -> memref<79x128xi32, #tpu.memory_space<hbm>>
      %dma_wait3A_34 = arith.constant 0 : i32
      %dma_wait3A_35 = arith.constant 0 : i32
      %dma_wait3A_36 = tpu.memref_slice %arg3[%add3A, %dma_wait3A_34, %dma_wait3A_35] : memref<32x79x128xi32, #tpu.memory_space<hbm>> -> memref<1x79x128xi32, #tpu.memory_space<hbm>>
      %dma_wait3A_37 = tpu.memref_squeeze %dma_wait3A_36 : memref<1x79x128xi32, #tpu.memory_space<hbm>> -> memref<79x128xi32, #tpu.memory_space<hbm>>
      tpu.wait_dma2 semaphore(%run_scoped3A : memref<!tpu.dma_semaphore, #tpu.memory_space<semaphore_mem>>) src(%dma_wait3A_37 : memref<79x128xi32, #tpu.memory_space<hbm>>) dst(%arg6 : memref<79x128xi32, #tpu.memory_space<vmem>>)
      tpu.yield
    }) : () -> ()
    "tpu.region"() ({
      %run_scoped3A = tpu.sem_alloc : memref<!tpu.dma_semaphore, #tpu.memory_space<semaphore_mem>>
      %dma_start3A = arith.constant 0 : i32
      %dma_start3A_24 = arith.constant 0 : i32
      %dma_start3A_25 = tpu.memref_slice %arg4[%add3A, %dma_start3A, %dma_start3A_24] : memref<32x79x128xi32, #tpu.memory_space<hbm>> -> memref<1x79x128xi32, #tpu.memory_space<hbm>>
      %dma_start3A_26 = tpu.memref_squeeze %dma_start3A_25 : memref<1x79x128xi32, #tpu.memory_space<hbm>> -> memref<79x128xi32, #tpu.memory_space<hbm>>
      %dma_start3A_27 = arith.constant 0 : i32
      %dma_start3A_28 = arith.constant 0 : i32
      %dma_start3A_29 = tpu.memref_slice %arg4[%add3A, %dma_start3A_27, %dma_start3A_28] : memref<32x79x128xi32, #tpu.memory_space<hbm>> -> memref<1x79x128xi32, #tpu.memory_space<hbm>>
      %dma_start3A_30 = tpu.memref_squeeze %dma_start3A_29 : memref<1x79x128xi32, #tpu.memory_space<hbm>> -> memref<79x128xi32, #tpu.memory_space<hbm>>
      tpu.enqueue_dma source(%dma_start3A_30 : memref<79x128xi32, #tpu.memory_space<hbm>>) target(%arg7 : memref<79x128xi32, #tpu.memory_space<vmem>>) target_semaphore(%run_scoped3A : memref<!tpu.dma_semaphore, #tpu.memory_space<semaphore_mem>>)
      %dma_wait3A = arith.constant 0 : i32
      %dma_wait3A_31 = arith.constant 0 : i32
      %dma_wait3A_32 = tpu.memref_slice %arg4[%add3A, %dma_wait3A, %dma_wait3A_31] : memref<32x79x128xi32, #tpu.memory_space<hbm>> -> memref<1x79x128xi32, #tpu.memory_space<hbm>>
      %dma_wait3A_33 = tpu.memref_squeeze %dma_wait3A_32 : memref<1x79x128xi32, #tpu.memory_space<hbm>> -> memref<79x128xi32, #tpu.memory_space<hbm>>
      %dma_wait3A_34 = arith.constant 0 : i32
      %dma_wait3A_35 = arith.constant 0 : i32
      %dma_wait3A_36 = tpu.memref_slice %arg4[%add3A, %dma_wait3A_34, %dma_wait3A_35] : memref<32x79x128xi32, #tpu.memory_space<hbm>> -> memref<1x79x128xi32, #tpu.memory_space<hbm>>
      %dma_wait3A_37 = tpu.memref_squeeze %dma_wait3A_36 : memref<1x79x128xi32, #tpu.memory_space<hbm>> -> memref<79x128xi32, #tpu.memory_space<hbm>>
      tpu.wait_dma2 semaphore(%run_scoped3A : memref<!tpu.dma_semaphore, #tpu.memory_space<semaphore_mem>>) src(%dma_wait3A_37 : memref<79x128xi32, #tpu.memory_space<hbm>>) dst(%arg7 : memref<79x128xi32, #tpu.memory_space<vmem>>)
      tpu.yield
    }) : () -> ()
    %scan3A_18 = arith.constant 0 : i32
    %scan3A_19 = arith.constant 79 : i32
    %scan3A_20 = arith.addi %scan3A_18, %scan3A_19 : i32
    %scan3A_21 = arith.constant 1 : i32
    scf.for %scan3A_24 = %scan3A_18 to %scan3A_20 step %scan3A_21  : i32 {
      %mul3A_25 = arith.constant 1 : i32
      %mul3A_26 = arith.muli %scan3A_24, %mul3A_25 : i32
      %add3A_27 = arith.constant 0 : i32
      %add3A_28 = arith.addi %add3A_27, %mul3A_26 : i32
      %dma_start3A = arith.constant 0 : i32
      %dma_start3A_29 = tpu.memref_slice %arg6[%add3A_28, %dma_start3A] : memref<79x128xi32, #tpu.memory_space<vmem>> -> memref<1x128xi32, #tpu.memory_space<vmem>>
      %dma_start3A_30 = tpu.memref_squeeze %dma_start3A_29 : memref<1x128xi32, #tpu.memory_space<vmem>> -> memref<128xi32, #tpu.memory_space<vmem>>
      %dma_start3A_31 = arith.constant 0 : i32
      %dma_start3A_32 = arith.constant 0 : i32
      %dma_start3A_33 = tpu.memref_slice %arg2[%dma_start3A_31, %dma_start3A_32] : memref<10000x128xf32, #tpu.memory_space<hbm>> -> memref<10000x128xf32, #tpu.memory_space<hbm>>
      tpu.enqueue_indirect_dma source(%dma_start3A_33 : memref<10000x128xf32, #tpu.memory_space<hbm>>) target(%arg8 : memref<128x128xf32, #tpu.memory_space<vmem>>) offsets(%dma_start3A_30 : memref<128xi32, #tpu.memory_space<vmem>>) semaphore(%arg10 : memref<!tpu.dma_semaphore, #tpu.memory_space<semaphore_mem>>)
      %dma_wait3A = arith.constant 0 : i32
      %dma_wait3A_34 = tpu.memref_slice %arg6[%add3A_28, %dma_wait3A] : memref<79x128xi32, #tpu.memory_space<vmem>> -> memref<1x128xi32, #tpu.memory_space<vmem>>
      %dma_wait3A_35 = tpu.memref_squeeze %dma_wait3A_34 : memref<1x128xi32, #tpu.memory_space<vmem>> -> memref<128xi32, #tpu.memory_space<vmem>>
      %dma_wait3A_36 = arith.constant 0 : i32
      %dma_wait3A_37 = arith.constant 0 : i32
      %dma_wait3A_38 = tpu.memref_slice %arg2[%dma_wait3A_36, %dma_wait3A_37] : memref<10000x128xf32, #tpu.memory_space<hbm>> -> memref<10000x128xf32, #tpu.memory_space<hbm>>
      tpu.wait_indirect_dma semaphore(%arg10 : memref<!tpu.dma_semaphore, #tpu.memory_space<semaphore_mem>>) src(%dma_wait3A_38 : memref<10000x128xf32, #tpu.memory_space<hbm>>) dst(%arg8 : memref<128x128xf32, #tpu.memory_space<vmem>>)
      "tpu.region"() ({
        %run_scoped3A = tpu.sem_alloc : memref<!tpu.dma_semaphore, #tpu.memory_space<semaphore_mem>>
        %dma_start3A_39 = arith.constant 0 : i32
        %dma_start3A_40 = tpu.memref_slice %arg7[%add3A_28, %dma_start3A_39] : memref<79x128xi32, #tpu.memory_space<vmem>> -> memref<1x128xi32, #tpu.memory_space<vmem>>
        %dma_start3A_41 = tpu.memref_squeeze %dma_start3A_40 : memref<1x128xi32, #tpu.memory_space<vmem>> -> memref<128xi32, #tpu.memory_space<vmem>>
        %dma_start3A_42 = arith.constant 0 : i32
        %dma_start3A_43 = arith.constant 0 : i32
        %dma_start3A_44 = tpu.memref_slice %arg9[%dma_start3A_42, %dma_start3A_43] : memref<10240x128xf32, #tpu.memory_space<vmem_shared>> -> memref<10240x128xf32, #tpu.memory_space<vmem_shared>>
        tpu.enqueue_indirect_dma source(%arg8 : memref<128x128xf32, #tpu.memory_space<vmem>>) target(%dma_start3A_44 : memref<10240x128xf32, #tpu.memory_space<vmem_shared>>) offsets(%dma_start3A_41 : memref<128xi32, #tpu.memory_space<vmem>>) semaphore(%run_scoped3A : memref<!tpu.dma_semaphore, #tpu.memory_space<semaphore_mem>>) {add = true}
        %dma_wait3A_45 = arith.constant 0 : i32
        %dma_wait3A_46 = tpu.memref_slice %arg7[%add3A_28, %dma_wait3A_45] : memref<79x128xi32, #tpu.memory_space<vmem>> -> memref<1x128xi32, #tpu.memory_space<vmem>>
        %dma_wait3A_47 = tpu.memref_squeeze %dma_wait3A_46 : memref<1x128xi32, #tpu.memory_space<vmem>> -> memref<128xi32, #tpu.memory_space<vmem>>
        %dma_wait3A_48 = arith.constant 0 : i32
        %dma_wait3A_49 = arith.constant 0 : i32
        %dma_wait3A_50 = tpu.memref_slice %arg9[%dma_wait3A_48, %dma_wait3A_49] : memref<10240x128xf32, #tpu.memory_space<vmem_shared>> -> memref<10240x128xf32, #tpu.memory_space<vmem_shared>>
        tpu.wait_indirect_dma semaphore(%run_scoped3A : memref<!tpu.dma_semaphore, #tpu.memory_space<semaphore_mem>>) src(%arg8 : memref<128x128xf32, #tpu.memory_space<vmem>>) dst(%dma_wait3A_50 : memref<10240x128xf32, #tpu.memory_space<vmem_shared>>)
        tpu.yield
      }) : () -> ()
    }
    %scan3A_22 = arith.constant 79 : i32
    %barrier3A_23 = arith.constant 0 : index
    tpu.barrier barrier_id(%barrier3A_23)
    "tpu.region"() ({
      %run_scoped3A = tpu.sem_alloc : memref<!tpu.dma_semaphore, #tpu.memory_space<semaphore_mem>>
      %dma_start3A = arith.constant 0 : i32
      %dma_start3A_24 = tpu.memref_slice %arg5[%arg0, %mul3A_2, %dma_start3A] : memref<2x10240x128xf32, #tpu.memory_space<hbm>> -> memref<1x640x128xf32, #tpu.memory_space<hbm>>
      %dma_start3A_25 = tpu.memref_squeeze %dma_start3A_24 : memref<1x640x128xf32, #tpu.memory_space<hbm>> -> memref<640x128xf32, #tpu.memory_space<hbm>>
      %dma_start3A_26 = arith.constant 0 : i32
      %dma_start3A_27 = tpu.memref_slice %arg9[%mul3A_2, %dma_start3A_26] : memref<10240x128xf32, #tpu.memory_space<vmem_shared>> -> memref<640x128xf32, #tpu.memory_space<vmem_shared>>
      tpu.enqueue_dma source(%dma_start3A_27 : memref<640x128xf32, #tpu.memory_space<vmem_shared>>) target(%dma_start3A_25 : memref<640x128xf32, #tpu.memory_space<hbm>>) target_semaphore(%run_scoped3A : memref<!tpu.dma_semaphore, #tpu.memory_space<semaphore_mem>>)
      %dma_wait3A = arith.constant 0 : i32
      %dma_wait3A_28 = tpu.memref_slice %arg5[%arg0, %mul3A_2, %dma_wait3A] : memref<2x10240x128xf32, #tpu.memory_space<hbm>> -> memref<1x640x128xf32, #tpu.memory_space<hbm>>
      %dma_wait3A_29 = tpu.memref_squeeze %dma_wait3A_28 : memref<1x640x128xf32, #tpu.memory_space<hbm>> -> memref<640x128xf32, #tpu.memory_space<hbm>>
      %dma_wait3A_30 = arith.constant 0 : i32
      %dma_wait3A_31 = tpu.memref_slice %arg9[%mul3A_2, %dma_wait3A_30] : memref<10240x128xf32, #tpu.memory_space<vmem_shared>> -> memref<640x128xf32, #tpu.memory_space<vmem_shared>>
      tpu.wait_dma2 semaphore(%run_scoped3A : memref<!tpu.dma_semaphore, #tpu.memory_space<semaphore_mem>>) src(%dma_wait3A_31 : memref<640x128xf32, #tpu.memory_space<vmem_shared>>) dst(%dma_wait3A_29 : memref<640x128xf32, #tpu.memory_space<hbm>>)
      tpu.yield
    }) : () -> ()
    return
  }
}

#map = affine_map<(d0, d1) -> (0, 0)>
#map1 = affine_map<(d0, d1) -> (0)>
module attributes {stable_mosaic.version = 14 : i64} {
  func.func @gat(%arg0: i32, %arg1: i32, %arg2: memref<10000x128xf32, #tpu.memory_space<hbm>>, %arg3: memref<4096xi32, #tpu.memory_space<hbm>>, %arg4: memref<4096xi32, #tpu.memory_space<hbm>>, %arg5: memref<4096x128xf32, #tpu.memory_space<hbm>>, %arg6: memref<4096x128xf32, #tpu.memory_space<hbm>>, %arg7: memref<128xi32, #tpu.memory_space<vmem>>, %arg8: memref<128xi32, #tpu.memory_space<vmem>>, %arg9: memref<128x128xf32, #tpu.memory_space<vmem>>, %arg10: memref<128x128xf32, #tpu.memory_space<vmem>>, %arg11: memref<!tpu.dma_semaphore, #tpu.memory_space<semaphore_mem>>, %arg12: memref<!tpu.dma_semaphore, #tpu.memory_space<semaphore_mem>>) attributes {dimension_semantics = [#tpu.dimension_semantics<core_parallel>, #tpu.dimension_semantics<subcore_parallel>], iteration_bounds = array<i64: 2, 16>, scalar_prefetch = 0 : i64, scratch_operands = 6 : i64, tpu.core_type = #tpu.core_type<sc_vector_subcore>, window_params = [{transform_indices = #map}, {transform_indices = #map1}, {transform_indices = #map1}, {transform_indices = #map}, {transform_indices = #map}]} {
    %mul3A = arith.constant 2 : i32
    %mul3A_0 = arith.muli %arg1, %mul3A : i32
    %add3A = arith.addi %mul3A_0, %arg0 : i32
    %mul3A_1 = arith.constant 128 : i32
    %mul3A_2 = arith.muli %add3A, %mul3A_1 : i32
    "tpu.region"() ({
      %run_scoped3A = tpu.sem_alloc : memref<!tpu.dma_semaphore, #tpu.memory_space<semaphore_mem>>
      %dma_start3A_13 = tpu.memref_slice %arg3[%mul3A_2] : memref<4096xi32, #tpu.memory_space<hbm>> -> memref<128xi32, #tpu.memory_space<hbm>>
      %dma_start3A_14 = tpu.memref_slice %arg3[%mul3A_2] : memref<4096xi32, #tpu.memory_space<hbm>> -> memref<128xi32, #tpu.memory_space<hbm>>
      tpu.enqueue_dma source(%dma_start3A_14 : memref<128xi32, #tpu.memory_space<hbm>>) target(%arg7 : memref<128xi32, #tpu.memory_space<vmem>>) target_semaphore(%run_scoped3A : memref<!tpu.dma_semaphore, #tpu.memory_space<semaphore_mem>>)
      %dma_wait3A_15 = tpu.memref_slice %arg3[%mul3A_2] : memref<4096xi32, #tpu.memory_space<hbm>> -> memref<128xi32, #tpu.memory_space<hbm>>
      %dma_wait3A_16 = tpu.memref_slice %arg3[%mul3A_2] : memref<4096xi32, #tpu.memory_space<hbm>> -> memref<128xi32, #tpu.memory_space<hbm>>
      tpu.wait_dma2 semaphore(%run_scoped3A : memref<!tpu.dma_semaphore, #tpu.memory_space<semaphore_mem>>) src(%dma_wait3A_16 : memref<128xi32, #tpu.memory_space<hbm>>) dst(%arg7 : memref<128xi32, #tpu.memory_space<vmem>>)
      tpu.yield
    }) : () -> ()
    "tpu.region"() ({
      %run_scoped3A = tpu.sem_alloc : memref<!tpu.dma_semaphore, #tpu.memory_space<semaphore_mem>>
      %dma_start3A_13 = tpu.memref_slice %arg4[%mul3A_2] : memref<4096xi32, #tpu.memory_space<hbm>> -> memref<128xi32, #tpu.memory_space<hbm>>
      %dma_start3A_14 = tpu.memref_slice %arg4[%mul3A_2] : memref<4096xi32, #tpu.memory_space<hbm>> -> memref<128xi32, #tpu.memory_space<hbm>>
      tpu.enqueue_dma source(%dma_start3A_14 : memref<128xi32, #tpu.memory_space<hbm>>) target(%arg8 : memref<128xi32, #tpu.memory_space<vmem>>) target_semaphore(%run_scoped3A : memref<!tpu.dma_semaphore, #tpu.memory_space<semaphore_mem>>)
      %dma_wait3A_15 = tpu.memref_slice %arg4[%mul3A_2] : memref<4096xi32, #tpu.memory_space<hbm>> -> memref<128xi32, #tpu.memory_space<hbm>>
      %dma_wait3A_16 = tpu.memref_slice %arg4[%mul3A_2] : memref<4096xi32, #tpu.memory_space<hbm>> -> memref<128xi32, #tpu.memory_space<hbm>>
      tpu.wait_dma2 semaphore(%run_scoped3A : memref<!tpu.dma_semaphore, #tpu.memory_space<semaphore_mem>>) src(%dma_wait3A_16 : memref<128xi32, #tpu.memory_space<hbm>>) dst(%arg8 : memref<128xi32, #tpu.memory_space<vmem>>)
      tpu.yield
    }) : () -> ()
    %dma_start3A = arith.constant 0 : i32
    %dma_start3A_3 = arith.constant 0 : i32
    %dma_start3A_4 = tpu.memref_slice %arg2[%dma_start3A, %dma_start3A_3] : memref<10000x128xf32, #tpu.memory_space<hbm>> -> memref<10000x128xf32, #tpu.memory_space<hbm>>
    tpu.enqueue_indirect_dma source(%dma_start3A_4 : memref<10000x128xf32, #tpu.memory_space<hbm>>) target(%arg9 : memref<128x128xf32, #tpu.memory_space<vmem>>) offsets(%arg7 : memref<128xi32, #tpu.memory_space<vmem>>) semaphore(%arg11 : memref<!tpu.dma_semaphore, #tpu.memory_space<semaphore_mem>>)
    %dma_start3A_5 = arith.constant 0 : i32
    %dma_start3A_6 = arith.constant 0 : i32
    %dma_start3A_7 = tpu.memref_slice %arg2[%dma_start3A_5, %dma_start3A_6] : memref<10000x128xf32, #tpu.memory_space<hbm>> -> memref<10000x128xf32, #tpu.memory_space<hbm>>
    tpu.enqueue_indirect_dma source(%dma_start3A_7 : memref<10000x128xf32, #tpu.memory_space<hbm>>) target(%arg10 : memref<128x128xf32, #tpu.memory_space<vmem>>) offsets(%arg8 : memref<128xi32, #tpu.memory_space<vmem>>) semaphore(%arg12 : memref<!tpu.dma_semaphore, #tpu.memory_space<semaphore_mem>>)
    %dma_wait3A = arith.constant 0 : i32
    %dma_wait3A_8 = arith.constant 0 : i32
    %dma_wait3A_9 = tpu.memref_slice %arg2[%dma_wait3A, %dma_wait3A_8] : memref<10000x128xf32, #tpu.memory_space<hbm>> -> memref<10000x128xf32, #tpu.memory_space<hbm>>
    tpu.wait_indirect_dma semaphore(%arg11 : memref<!tpu.dma_semaphore, #tpu.memory_space<semaphore_mem>>) src(%dma_wait3A_9 : memref<10000x128xf32, #tpu.memory_space<hbm>>) dst(%arg9 : memref<128x128xf32, #tpu.memory_space<vmem>>)
    %dma_wait3A_10 = arith.constant 0 : i32
    %dma_wait3A_11 = arith.constant 0 : i32
    %dma_wait3A_12 = tpu.memref_slice %arg2[%dma_wait3A_10, %dma_wait3A_11] : memref<10000x128xf32, #tpu.memory_space<hbm>> -> memref<10000x128xf32, #tpu.memory_space<hbm>>
    tpu.wait_indirect_dma semaphore(%arg12 : memref<!tpu.dma_semaphore, #tpu.memory_space<semaphore_mem>>) src(%dma_wait3A_12 : memref<10000x128xf32, #tpu.memory_space<hbm>>) dst(%arg10 : memref<128x128xf32, #tpu.memory_space<vmem>>)
    "tpu.region"() ({
      %run_scoped3A = tpu.sem_alloc : memref<!tpu.dma_semaphore, #tpu.memory_space<semaphore_mem>>
      %dma_start3A_13 = arith.constant 0 : i32
      %dma_start3A_14 = tpu.memref_slice %arg5[%mul3A_2, %dma_start3A_13] : memref<4096x128xf32, #tpu.memory_space<hbm>> -> memref<128x128xf32, #tpu.memory_space<hbm>>
      %dma_start3A_15 = arith.constant 0 : i32
      %dma_start3A_16 = tpu.memref_slice %arg5[%mul3A_2, %dma_start3A_15] : memref<4096x128xf32, #tpu.memory_space<hbm>> -> memref<128x128xf32, #tpu.memory_space<hbm>>
      tpu.enqueue_dma source(%arg9 : memref<128x128xf32, #tpu.memory_space<vmem>>) target(%dma_start3A_16 : memref<128x128xf32, #tpu.memory_space<hbm>>) target_semaphore(%run_scoped3A : memref<!tpu.dma_semaphore, #tpu.memory_space<semaphore_mem>>)
      %dma_wait3A_17 = arith.constant 0 : i32
      %dma_wait3A_18 = tpu.memref_slice %arg5[%mul3A_2, %dma_wait3A_17] : memref<4096x128xf32, #tpu.memory_space<hbm>> -> memref<128x128xf32, #tpu.memory_space<hbm>>
      %dma_wait3A_19 = arith.constant 0 : i32
      %dma_wait3A_20 = tpu.memref_slice %arg5[%mul3A_2, %dma_wait3A_19] : memref<4096x128xf32, #tpu.memory_space<hbm>> -> memref<128x128xf32, #tpu.memory_space<hbm>>
      tpu.wait_dma2 semaphore(%run_scoped3A : memref<!tpu.dma_semaphore, #tpu.memory_space<semaphore_mem>>) src(%arg9 : memref<128x128xf32, #tpu.memory_space<vmem>>) dst(%dma_wait3A_20 : memref<128x128xf32, #tpu.memory_space<hbm>>)
      tpu.yield
    }) : () -> ()
    "tpu.region"() ({
      %run_scoped3A = tpu.sem_alloc : memref<!tpu.dma_semaphore, #tpu.memory_space<semaphore_mem>>
      %dma_start3A_13 = arith.constant 0 : i32
      %dma_start3A_14 = tpu.memref_slice %arg6[%mul3A_2, %dma_start3A_13] : memref<4096x128xf32, #tpu.memory_space<hbm>> -> memref<128x128xf32, #tpu.memory_space<hbm>>
      %dma_start3A_15 = arith.constant 0 : i32
      %dma_start3A_16 = tpu.memref_slice %arg6[%mul3A_2, %dma_start3A_15] : memref<4096x128xf32, #tpu.memory_space<hbm>> -> memref<128x128xf32, #tpu.memory_space<hbm>>
      tpu.enqueue_dma source(%arg10 : memref<128x128xf32, #tpu.memory_space<vmem>>) target(%dma_start3A_16 : memref<128x128xf32, #tpu.memory_space<hbm>>) target_semaphore(%run_scoped3A : memref<!tpu.dma_semaphore, #tpu.memory_space<semaphore_mem>>)
      %dma_wait3A_17 = arith.constant 0 : i32
      %dma_wait3A_18 = tpu.memref_slice %arg6[%mul3A_2, %dma_wait3A_17] : memref<4096x128xf32, #tpu.memory_space<hbm>> -> memref<128x128xf32, #tpu.memory_space<hbm>>
      %dma_wait3A_19 = arith.constant 0 : i32
      %dma_wait3A_20 = tpu.memref_slice %arg6[%mul3A_2, %dma_wait3A_19] : memref<4096x128xf32, #tpu.memory_space<hbm>> -> memref<128x128xf32, #tpu.memory_space<hbm>>
      tpu.wait_dma2 semaphore(%run_scoped3A : memref<!tpu.dma_semaphore, #tpu.memory_space<semaphore_mem>>) src(%arg10 : memref<128x128xf32, #tpu.memory_space<vmem>>) dst(%dma_wait3A_20 : memref<128x128xf32, #tpu.memory_space<hbm>>)
      tpu.yield
    }) : () -> ()
    return
  }
}

#map = affine_map<(d0, d1) -> (0, 0)>
#map1 = affine_map<(d0, d1) -> (0, 0, 0)>
module attributes {stable_mosaic.version = 14 : i64} {
  func.func @seg(%arg0: i32, %arg1: i32, %arg2: memref<10000x128xf32, #tpu.memory_space<hbm>>, %arg3: memref<32x79x128xi32, #tpu.memory_space<hbm>>, %arg4: memref<32x79x128xi32, #tpu.memory_space<hbm>>, %arg5: memref<2x10240x128xf32, #tpu.memory_space<hbm>>, %arg6: memref<79x128xi32, #tpu.memory_space<vmem>>, %arg7: memref<79x128xi32, #tpu.memory_space<vmem>>, %arg8: memref<128x128xf32, #tpu.memory_space<vmem>>, %arg9: memref<10240x128xf32, #tpu.memory_space<vmem_shared>>, %arg10: memref<!tpu.dma_semaphore, #tpu.memory_space<semaphore_mem>>) attributes {dimension_semantics = [#tpu.dimension_semantics<core_parallel>, #tpu.dimension_semantics<subcore_parallel>], iteration_bounds = array<i64: 2, 16>, scalar_prefetch = 0 : i64, scratch_operands = 5 : i64, tpu.core_type = #tpu.core_type<sc_vector_subcore>, window_params = [{transform_indices = #map}, {transform_indices = #map1}, {transform_indices = #map1}, {transform_indices = #map1}]} {
    %mul3A = arith.constant 2 : i32
    %mul3A_0 = arith.muli %arg1, %mul3A : i32
    %add3A = arith.addi %mul3A_0, %arg0 : i32
    %mul3A_1 = arith.constant 640 : i32
    %mul3A_2 = arith.muli %arg1, %mul3A_1 : i32
    %broadcast_in_dim3A = arith.constant 0.000000e+00 : f32
    %broadcast_in_dim3A_3 = vector.broadcast %broadcast_in_dim3A : f32 to vector<16xf32>
    %scan3A = arith.constant 0 : i32
    %scan3A_4 = arith.constant 128 : i32
    %scan3A_5 = arith.addi %scan3A, %scan3A_4 : i32
    %scan3A_6 = arith.constant 1 : i32
    scf.for %scan3A_24 = %scan3A to %scan3A_5 step %scan3A_6  : i32 {
      %mul3A_25 = arith.constant 1 : i32
      %mul3A_26 = arith.muli %scan3A_24, %mul3A_25 : i32
      %add3A_27 = arith.constant 0 : i32
      %add3A_28 = arith.addi %add3A_27, %mul3A_26 : i32
      %swap3A = arith.index_cast %add3A_28 : i32 to index
      %swap3A_29 = arith.constant 0 : index
      %swap3A_30 = tpu.vector_load %arg8[%swap3A, %swap3A_29] {strides = array<i32>} : memref<128x128xf32, #tpu.memory_space<vmem>>, vector<1x16xf32>,
      %swap3A_31 = vector.shape_cast %swap3A_30 : vector<1x16xf32> to vector<16xf32>
      %swap3A_32 = vector.shape_cast %broadcast_in_dim3A_3 : vector<16xf32> to vector<1x16xf32>
      tpu.vector_store %arg8[%swap3A, %swap3A_29], %swap3A_32 {strides = array<i32>} : memref<128x128xf32, #tpu.memory_space<vmem>>, vector<1x16xf32>,
      %swap3A_33 = arith.index_cast %add3A_28 : i32 to index
      %swap3A_34 = arith.constant 16 : index
      %swap3A_35 = tpu.vector_load %arg8[%swap3A_33, %swap3A_34] {strides = array<i32>} : memref<128x128xf32, #tpu.memory_space<vmem>>, vector<1x16xf32>,
      %swap3A_36 = vector.shape_cast %swap3A_35 : vector<1x16xf32> to vector<16xf32>
      %swap3A_37 = vector.shape_cast %broadcast_in_dim3A_3 : vector<16xf32> to vector<1x16xf32>
      tpu.vector_store %arg8[%swap3A_33, %swap3A_34], %swap3A_37 {strides = array<i32>} : memref<128x128xf32, #tpu.memory_space<vmem>>, vector<1x16xf32>,
      %swap3A_38 = arith.index_cast %add3A_28 : i32 to index
      %swap3A_39 = arith.constant 32 : index
      %swap3A_40 = tpu.vector_load %arg8[%swap3A_38, %swap3A_39] {strides = array<i32>} : memref<128x128xf32, #tpu.memory_space<vmem>>, vector<1x16xf32>,
      %swap3A_41 = vector.shape_cast %swap3A_40 : vector<1x16xf32> to vector<16xf32>
      %swap3A_42 = vector.shape_cast %broadcast_in_dim3A_3 : vector<16xf32> to vector<1x16xf32>
      tpu.vector_store %arg8[%swap3A_38, %swap3A_39], %swap3A_42 {strides = array<i32>} : memref<128x128xf32, #tpu.memory_space<vmem>>, vector<1x16xf32>,
      %swap3A_43 = arith.index_cast %add3A_28 : i32 to index
      %swap3A_44 = arith.constant 48 : index
      %swap3A_45 = tpu.vector_load %arg8[%swap3A_43, %swap3A_44] {strides = array<i32>} : memref<128x128xf32, #tpu.memory_space<vmem>>, vector<1x16xf32>,
      %swap3A_46 = vector.shape_cast %swap3A_45 : vector<1x16xf32> to vector<16xf32>
      %swap3A_47 = vector.shape_cast %broadcast_in_dim3A_3 : vector<16xf32> to vector<1x16xf32>
      tpu.vector_store %arg8[%swap3A_43, %swap3A_44], %swap3A_47 {strides = array<i32>} : memref<128x128xf32, #tpu.memory_space<vmem>>, vector<1x16xf32>,
      %swap3A_48 = arith.index_cast %add3A_28 : i32 to index
      %swap3A_49 = arith.constant 64 : index
      %swap3A_50 = tpu.vector_load %arg8[%swap3A_48, %swap3A_49] {strides = array<i32>} : memref<128x128xf32, #tpu.memory_space<vmem>>, vector<1x16xf32>,
      %swap3A_51 = vector.shape_cast %swap3A_50 : vector<1x16xf32> to vector<16xf32>
      %swap3A_52 = vector.shape_cast %broadcast_in_dim3A_3 : vector<16xf32> to vector<1x16xf32>
      tpu.vector_store %arg8[%swap3A_48, %swap3A_49], %swap3A_52 {strides = array<i32>} : memref<128x128xf32, #tpu.memory_space<vmem>>, vector<1x16xf32>,
      %swap3A_53 = arith.index_cast %add3A_28 : i32 to index
      %swap3A_54 = arith.constant 80 : index
      %swap3A_55 = tpu.vector_load %arg8[%swap3A_53, %swap3A_54] {strides = array<i32>} : memref<128x128xf32, #tpu.memory_space<vmem>>, vector<1x16xf32>,
      %swap3A_56 = vector.shape_cast %swap3A_55 : vector<1x16xf32> to vector<16xf32>
      %swap3A_57 = vector.shape_cast %broadcast_in_dim3A_3 : vector<16xf32> to vector<1x16xf32>
      tpu.vector_store %arg8[%swap3A_53, %swap3A_54], %swap3A_57 {strides = array<i32>} : memref<128x128xf32, #tpu.memory_space<vmem>>, vector<1x16xf32>,
      %swap3A_58 = arith.index_cast %add3A_28 : i32 to index
      %swap3A_59 = arith.constant 96 : index
      %swap3A_60 = tpu.vector_load %arg8[%swap3A_58, %swap3A_59] {strides = array<i32>} : memref<128x128xf32, #tpu.memory_space<vmem>>, vector<1x16xf32>,
      %swap3A_61 = vector.shape_cast %swap3A_60 : vector<1x16xf32> to vector<16xf32>
      %swap3A_62 = vector.shape_cast %broadcast_in_dim3A_3 : vector<16xf32> to vector<1x16xf32>
      tpu.vector_store %arg8[%swap3A_58, %swap3A_59], %swap3A_62 {strides = array<i32>} : memref<128x128xf32, #tpu.memory_space<vmem>>, vector<1x16xf32>,
      %swap3A_63 = arith.index_cast %add3A_28 : i32 to index
      %swap3A_64 = arith.constant 112 : index
      %swap3A_65 = tpu.vector_load %arg8[%swap3A_63, %swap3A_64] {strides = array<i32>} : memref<128x128xf32, #tpu.memory_space<vmem>>, vector<1x16xf32>,
      %swap3A_66 = vector.shape_cast %swap3A_65 : vector<1x16xf32> to vector<16xf32>
      %swap3A_67 = vector.shape_cast %broadcast_in_dim3A_3 : vector<16xf32> to vector<1x16xf32>
      tpu.vector_store %arg8[%swap3A_63, %swap3A_64], %swap3A_67 {strides = array<i32>} : memref<128x128xf32, #tpu.memory_space<vmem>>, vector<1x16xf32>,
    }
    %scan3A_7 = arith.constant 128 : i32
    %add3A_8 = arith.constant 0 : i32
    %add3A_9 = arith.addi %mul3A_2, %add3A_8 : i32
    "tpu.region"() ({
      %run_scoped3A = tpu.sem_alloc : memref<!tpu.dma_semaphore, #tpu.memory_space<semaphore_mem>>
      %dma_start3A = arith.constant 0 : i32
      %dma_start3A_24 = tpu.memref_slice %arg9[%add3A_9, %dma_start3A] : memref<10240x128xf32, #tpu.memory_space<vmem_shared>> -> memref<128x128xf32, #tpu.memory_space<vmem_shared>>
      %dma_start3A_25 = arith.constant 0 : i32
      %dma_start3A_26 = tpu.memref_slice %arg9[%add3A_9, %dma_start3A_25] : memref<10240x128xf32, #tpu.memory_space<vmem_shared>> -> memref<128x128xf32, #tpu.memory_space<vmem_shared>>
      tpu.enqueue_dma source(%arg8 : memref<128x128xf32, #tpu.memory_space<vmem>>) target(%dma_start3A_26 : memref<128x128xf32, #tpu.memory_space<vmem_shared>>) target_semaphore(%run_scoped3A : memref<!tpu.dma_semaphore, #tpu.memory_space<semaphore_mem>>)
      %dma_wait3A = arith.constant 0 : i32
      %dma_wait3A_27 = tpu.memref_slice %arg9[%add3A_9, %dma_wait3A] : memref<10240x128xf32, #tpu.memory_space<vmem_shared>> -> memref<128x128xf32, #tpu.memory_space<vmem_shared>>
      %dma_wait3A_28 = arith.constant 0 : i32
      %dma_wait3A_29 = tpu.memref_slice %arg9[%add3A_9, %dma_wait3A_28] : memref<10240x128xf32, #tpu.memory_space<vmem_shared>> -> memref<128x128xf32, #tpu.memory_space<vmem_shared>>
      tpu.wait_dma2 semaphore(%run_scoped3A : memref<!tpu.dma_semaphore, #tpu.memory_space<semaphore_mem>>) src(%arg8 : memref<128x128xf32, #tpu.memory_space<vmem>>) dst(%dma_wait3A_29 : memref<128x128xf32, #tpu.memory_space<vmem_shared>>)
      tpu.yield
    }) : () -> ()
    %add3A_10 = arith.constant 128 : i32
    %add3A_11 = arith.addi %mul3A_2, %add3A_10 : i32
    "tpu.region"() ({
      %run_scoped3A = tpu.sem_alloc : memref<!tpu.dma_semaphore, #tpu.memory_space<semaphore_mem>>
      %dma_start3A = arith.constant 0 : i32
      %dma_start3A_24 = tpu.memref_slice %arg9[%add3A_11, %dma_start3A] : memref<10240x128xf32, #tpu.memory_space<vmem_shared>> -> memref<128x128xf32, #tpu.memory_space<vmem_shared>>
      %dma_start3A_25 = arith.constant 0 : i32
      %dma_start3A_26 = tpu.memref_slice %arg9[%add3A_11, %dma_start3A_25] : memref<10240x128xf32, #tpu.memory_space<vmem_shared>> -> memref<128x128xf32, #tpu.memory_space<vmem_shared>>
      tpu.enqueue_dma source(%arg8 : memref<128x128xf32, #tpu.memory_space<vmem>>) target(%dma_start3A_26 : memref<128x128xf32, #tpu.memory_space<vmem_shared>>) target_semaphore(%run_scoped3A : memref<!tpu.dma_semaphore, #tpu.memory_space<semaphore_mem>>)
      %dma_wait3A = arith.constant 0 : i32
      %dma_wait3A_27 = tpu.memref_slice %arg9[%add3A_11, %dma_wait3A] : memref<10240x128xf32, #tpu.memory_space<vmem_shared>> -> memref<128x128xf32, #tpu.memory_space<vmem_shared>>
      %dma_wait3A_28 = arith.constant 0 : i32
      %dma_wait3A_29 = tpu.memref_slice %arg9[%add3A_11, %dma_wait3A_28] : memref<10240x128xf32, #tpu.memory_space<vmem_shared>> -> memref<128x128xf32, #tpu.memory_space<vmem_shared>>
      tpu.wait_dma2 semaphore(%run_scoped3A : memref<!tpu.dma_semaphore, #tpu.memory_space<semaphore_mem>>) src(%arg8 : memref<128x128xf32, #tpu.memory_space<vmem>>) dst(%dma_wait3A_29 : memref<128x128xf32, #tpu.memory_space<vmem_shared>>)
      tpu.yield
    }) : () -> ()
    %add3A_12 = arith.constant 256 : i32
    %add3A_13 = arith.addi %mul3A_2, %add3A_12 : i32
    "tpu.region"() ({
      %run_scoped3A = tpu.sem_alloc : memref<!tpu.dma_semaphore, #tpu.memory_space<semaphore_mem>>
      %dma_start3A = arith.constant 0 : i32
      %dma_start3A_24 = tpu.memref_slice %arg9[%add3A_13, %dma_start3A] : memref<10240x128xf32, #tpu.memory_space<vmem_shared>> -> memref<128x128xf32, #tpu.memory_space<vmem_shared>>
      %dma_start3A_25 = arith.constant 0 : i32
      %dma_start3A_26 = tpu.memref_slice %arg9[%add3A_13, %dma_start3A_25] : memref<10240x128xf32, #tpu.memory_space<vmem_shared>> -> memref<128x128xf32, #tpu.memory_space<vmem_shared>>
      tpu.enqueue_dma source(%arg8 : memref<128x128xf32, #tpu.memory_space<vmem>>) target(%dma_start3A_26 : memref<128x128xf32, #tpu.memory_space<vmem_shared>>) target_semaphore(%run_scoped3A : memref<!tpu.dma_semaphore, #tpu.memory_space<semaphore_mem>>)
      %dma_wait3A = arith.constant 0 : i32
      %dma_wait3A_27 = tpu.memref_slice %arg9[%add3A_13, %dma_wait3A] : memref<10240x128xf32, #tpu.memory_space<vmem_shared>> -> memref<128x128xf32, #tpu.memory_space<vmem_shared>>
      %dma_wait3A_28 = arith.constant 0 : i32
      %dma_wait3A_29 = tpu.memref_slice %arg9[%add3A_13, %dma_wait3A_28] : memref<10240x128xf32, #tpu.memory_space<vmem_shared>> -> memref<128x128xf32, #tpu.memory_space<vmem_shared>>
      tpu.wait_dma2 semaphore(%run_scoped3A : memref<!tpu.dma_semaphore, #tpu.memory_space<semaphore_mem>>) src(%arg8 : memref<128x128xf32, #tpu.memory_space<vmem>>) dst(%dma_wait3A_29 : memref<128x128xf32, #tpu.memory_space<vmem_shared>>)
      tpu.yield
    }) : () -> ()
    %add3A_14 = arith.constant 384 : i32
    %add3A_15 = arith.addi %mul3A_2, %add3A_14 : i32
    "tpu.region"() ({
      %run_scoped3A = tpu.sem_alloc : memref<!tpu.dma_semaphore, #tpu.memory_space<semaphore_mem>>
      %dma_start3A = arith.constant 0 : i32
      %dma_start3A_24 = tpu.memref_slice %arg9[%add3A_15, %dma_start3A] : memref<10240x128xf32, #tpu.memory_space<vmem_shared>> -> memref<128x128xf32, #tpu.memory_space<vmem_shared>>
      %dma_start3A_25 = arith.constant 0 : i32
      %dma_start3A_26 = tpu.memref_slice %arg9[%add3A_15, %dma_start3A_25] : memref<10240x128xf32, #tpu.memory_space<vmem_shared>> -> memref<128x128xf32, #tpu.memory_space<vmem_shared>>
      tpu.enqueue_dma source(%arg8 : memref<128x128xf32, #tpu.memory_space<vmem>>) target(%dma_start3A_26 : memref<128x128xf32, #tpu.memory_space<vmem_shared>>) target_semaphore(%run_scoped3A : memref<!tpu.dma_semaphore, #tpu.memory_space<semaphore_mem>>)
      %dma_wait3A = arith.constant 0 : i32
      %dma_wait3A_27 = tpu.memref_slice %arg9[%add3A_15, %dma_wait3A] : memref<10240x128xf32, #tpu.memory_space<vmem_shared>> -> memref<128x128xf32, #tpu.memory_space<vmem_shared>>
      %dma_wait3A_28 = arith.constant 0 : i32
      %dma_wait3A_29 = tpu.memref_slice %arg9[%add3A_15, %dma_wait3A_28] : memref<10240x128xf32, #tpu.memory_space<vmem_shared>> -> memref<128x128xf32, #tpu.memory_space<vmem_shared>>
      tpu.wait_dma2 semaphore(%run_scoped3A : memref<!tpu.dma_semaphore, #tpu.memory_space<semaphore_mem>>) src(%arg8 : memref<128x128xf32, #tpu.memory_space<vmem>>) dst(%dma_wait3A_29 : memref<128x128xf32, #tpu.memory_space<vmem_shared>>)
      tpu.yield
    }) : () -> ()
    %add3A_16 = arith.constant 512 : i32
    %add3A_17 = arith.addi %mul3A_2, %add3A_16 : i32
    "tpu.region"() ({
      %run_scoped3A = tpu.sem_alloc : memref<!tpu.dma_semaphore, #tpu.memory_space<semaphore_mem>>
      %dma_start3A = arith.constant 0 : i32
      %dma_start3A_24 = tpu.memref_slice %arg9[%add3A_17, %dma_start3A] : memref<10240x128xf32, #tpu.memory_space<vmem_shared>> -> memref<128x128xf32, #tpu.memory_space<vmem_shared>>
      %dma_start3A_25 = arith.constant 0 : i32
      %dma_start3A_26 = tpu.memref_slice %arg9[%add3A_17, %dma_start3A_25] : memref<10240x128xf32, #tpu.memory_space<vmem_shared>> -> memref<128x128xf32, #tpu.memory_space<vmem_shared>>
      tpu.enqueue_dma source(%arg8 : memref<128x128xf32, #tpu.memory_space<vmem>>) target(%dma_start3A_26 : memref<128x128xf32, #tpu.memory_space<vmem_shared>>) target_semaphore(%run_scoped3A : memref<!tpu.dma_semaphore, #tpu.memory_space<semaphore_mem>>)
      %dma_wait3A = arith.constant 0 : i32
      %dma_wait3A_27 = tpu.memref_slice %arg9[%add3A_17, %dma_wait3A] : memref<10240x128xf32, #tpu.memory_space<vmem_shared>> -> memref<128x128xf32, #tpu.memory_space<vmem_shared>>
      %dma_wait3A_28 = arith.constant 0 : i32
      %dma_wait3A_29 = tpu.memref_slice %arg9[%add3A_17, %dma_wait3A_28] : memref<10240x128xf32, #tpu.memory_space<vmem_shared>> -> memref<128x128xf32, #tpu.memory_space<vmem_shared>>
      tpu.wait_dma2 semaphore(%run_scoped3A : memref<!tpu.dma_semaphore, #tpu.memory_space<semaphore_mem>>) src(%arg8 : memref<128x128xf32, #tpu.memory_space<vmem>>) dst(%dma_wait3A_29 : memref<128x128xf32, #tpu.memory_space<vmem_shared>>)
      tpu.yield
    }) : () -> ()
    %barrier3A = arith.constant 0 : index
    tpu.barrier barrier_id(%barrier3A)
    "tpu.region"() ({
      %run_scoped3A = tpu.sem_alloc : memref<!tpu.dma_semaphore, #tpu.memory_space<semaphore_mem>>
      %dma_start3A = arith.constant 0 : i32
      %dma_start3A_24 = arith.constant 0 : i32
      %dma_start3A_25 = tpu.memref_slice %arg3[%add3A, %dma_start3A, %dma_start3A_24] : memref<32x79x128xi32, #tpu.memory_space<hbm>> -> memref<1x79x128xi32, #tpu.memory_space<hbm>>
      %dma_start3A_26 = tpu.memref_squeeze %dma_start3A_25 : memref<1x79x128xi32, #tpu.memory_space<hbm>> -> memref<79x128xi32, #tpu.memory_space<hbm>>
      %dma_start3A_27 = arith.constant 0 : i32
      %dma_start3A_28 = arith.constant 0 : i32
      %dma_start3A_29 = tpu.memref_slice %arg3[%add3A, %dma_start3A_27, %dma_start3A_28] : memref<32x79x128xi32, #tpu.memory_space<hbm>> -> memref<1x79x128xi32, #tpu.memory_space<hbm>>
      %dma_start3A_30 = tpu.memref_squeeze %dma_start3A_29 : memref<1x79x128xi32, #tpu.memory_space<hbm>> -> memref<79x128xi32, #tpu.memory_space<hbm>>
      tpu.enqueue_dma source(%dma_start3A_30 : memref<79x128xi32, #tpu.memory_space<hbm>>) target(%arg6 : memref<79x128xi32, #tpu.memory_space<vmem>>) target_semaphore(%run_scoped3A : memref<!tpu.dma_semaphore, #tpu.memory_space<semaphore_mem>>)
      %dma_wait3A = arith.constant 0 : i32
      %dma_wait3A_31 = arith.constant 0 : i32
      %dma_wait3A_32 = tpu.memref_slice %arg3[%add3A, %dma_wait3A, %dma_wait3A_31] : memref<32x79x128xi32, #tpu.memory_space<hbm>> -> memref<1x79x128xi32, #tpu.memory_space<hbm>>
      %dma_wait3A_33 = tpu.memref_squeeze %dma_wait3A_32 : memref<1x79x128xi32, #tpu.memory_space<hbm>> -> memref<79x128xi32, #tpu.memory_space<hbm>>
      %dma_wait3A_34 = arith.constant 0 : i32
      %dma_wait3A_35 = arith.constant 0 : i32
      %dma_wait3A_36 = tpu.memref_slice %arg3[%add3A, %dma_wait3A_34, %dma_wait3A_35] : memref<32x79x128xi32, #tpu.memory_space<hbm>> -> memref<1x79x128xi32, #tpu.memory_space<hbm>>
      %dma_wait3A_37 = tpu.memref_squeeze %dma_wait3A_36 : memref<1x79x128xi32, #tpu.memory_space<hbm>> -> memref<79x128xi32, #tpu.memory_space<hbm>>
      tpu.wait_dma2 semaphore(%run_scoped3A : memref<!tpu.dma_semaphore, #tpu.memory_space<semaphore_mem>>) src(%dma_wait3A_37 : memref<79x128xi32, #tpu.memory_space<hbm>>) dst(%arg6 : memref<79x128xi32, #tpu.memory_space<vmem>>)
      tpu.yield
    }) : () -> ()
    "tpu.region"() ({
      %run_scoped3A = tpu.sem_alloc : memref<!tpu.dma_semaphore, #tpu.memory_space<semaphore_mem>>
      %dma_start3A = arith.constant 0 : i32
      %dma_start3A_24 = arith.constant 0 : i32
      %dma_start3A_25 = tpu.memref_slice %arg4[%add3A, %dma_start3A, %dma_start3A_24] : memref<32x79x128xi32, #tpu.memory_space<hbm>> -> memref<1x79x128xi32, #tpu.memory_space<hbm>>
      %dma_start3A_26 = tpu.memref_squeeze %dma_start3A_25 : memref<1x79x128xi32, #tpu.memory_space<hbm>> -> memref<79x128xi32, #tpu.memory_space<hbm>>
      %dma_start3A_27 = arith.constant 0 : i32
      %dma_start3A_28 = arith.constant 0 : i32
      %dma_start3A_29 = tpu.memref_slice %arg4[%add3A, %dma_start3A_27, %dma_start3A_28] : memref<32x79x128xi32, #tpu.memory_space<hbm>> -> memref<1x79x128xi32, #tpu.memory_space<hbm>>
      %dma_start3A_30 = tpu.memref_squeeze %dma_start3A_29 : memref<1x79x128xi32, #tpu.memory_space<hbm>> -> memref<79x128xi32, #tpu.memory_space<hbm>>
      tpu.enqueue_dma source(%dma_start3A_30 : memref<79x128xi32, #tpu.memory_space<hbm>>) target(%arg7 : memref<79x128xi32, #tpu.memory_space<vmem>>) target_semaphore(%run_scoped3A : memref<!tpu.dma_semaphore, #tpu.memory_space<semaphore_mem>>)
      %dma_wait3A = arith.constant 0 : i32
      %dma_wait3A_31 = arith.constant 0 : i32
      %dma_wait3A_32 = tpu.memref_slice %arg4[%add3A, %dma_wait3A, %dma_wait3A_31] : memref<32x79x128xi32, #tpu.memory_space<hbm>> -> memref<1x79x128xi32, #tpu.memory_space<hbm>>
      %dma_wait3A_33 = tpu.memref_squeeze %dma_wait3A_32 : memref<1x79x128xi32, #tpu.memory_space<hbm>> -> memref<79x128xi32, #tpu.memory_space<hbm>>
      %dma_wait3A_34 = arith.constant 0 : i32
      %dma_wait3A_35 = arith.constant 0 : i32
      %dma_wait3A_36 = tpu.memref_slice %arg4[%add3A, %dma_wait3A_34, %dma_wait3A_35] : memref<32x79x128xi32, #tpu.memory_space<hbm>> -> memref<1x79x128xi32, #tpu.memory_space<hbm>>
      %dma_wait3A_37 = tpu.memref_squeeze %dma_wait3A_36 : memref<1x79x128xi32, #tpu.memory_space<hbm>> -> memref<79x128xi32, #tpu.memory_space<hbm>>
      tpu.wait_dma2 semaphore(%run_scoped3A : memref<!tpu.dma_semaphore, #tpu.memory_space<semaphore_mem>>) src(%dma_wait3A_37 : memref<79x128xi32, #tpu.memory_space<hbm>>) dst(%arg7 : memref<79x128xi32, #tpu.memory_space<vmem>>)
      tpu.yield
    }) : () -> ()
    %scan3A_18 = arith.constant 0 : i32
    %scan3A_19 = arith.constant 79 : i32
    %scan3A_20 = arith.addi %scan3A_18, %scan3A_19 : i32
    %scan3A_21 = arith.constant 1 : i32
    scf.for %scan3A_24 = %scan3A_18 to %scan3A_20 step %scan3A_21  : i32 {
      %mul3A_25 = arith.constant 1 : i32
      %mul3A_26 = arith.muli %scan3A_24, %mul3A_25 : i32
      %add3A_27 = arith.constant 0 : i32
      %add3A_28 = arith.addi %add3A_27, %mul3A_26 : i32
      %dma_start3A = arith.constant 0 : i32
      %dma_start3A_29 = tpu.memref_slice %arg6[%add3A_28, %dma_start3A] : memref<79x128xi32, #tpu.memory_space<vmem>> -> memref<1x128xi32, #tpu.memory_space<vmem>>
      %dma_start3A_30 = tpu.memref_squeeze %dma_start3A_29 : memref<1x128xi32, #tpu.memory_space<vmem>> -> memref<128xi32, #tpu.memory_space<vmem>>
      %dma_start3A_31 = arith.constant 0 : i32
      %dma_start3A_32 = arith.constant 0 : i32
      %dma_start3A_33 = tpu.memref_slice %arg2[%dma_start3A_31, %dma_start3A_32] : memref<10000x128xf32, #tpu.memory_space<hbm>> -> memref<10000x128xf32, #tpu.memory_space<hbm>>
      tpu.enqueue_indirect_dma source(%dma_start3A_33 : memref<10000x128xf32, #tpu.memory_space<hbm>>) target(%arg8 : memref<128x128xf32, #tpu.memory_space<vmem>>) offsets(%dma_start3A_30 : memref<128xi32, #tpu.memory_space<vmem>>) semaphore(%arg10 : memref<!tpu.dma_semaphore, #tpu.memory_space<semaphore_mem>>)
      %dma_wait3A = arith.constant 0 : i32
      %dma_wait3A_34 = tpu.memref_slice %arg6[%add3A_28, %dma_wait3A] : memref<79x128xi32, #tpu.memory_space<vmem>> -> memref<1x128xi32, #tpu.memory_space<vmem>>
      %dma_wait3A_35 = tpu.memref_squeeze %dma_wait3A_34 : memref<1x128xi32, #tpu.memory_space<vmem>> -> memref<128xi32, #tpu.memory_space<vmem>>
      %dma_wait3A_36 = arith.constant 0 : i32
      %dma_wait3A_37 = arith.constant 0 : i32
      %dma_wait3A_38 = tpu.memref_slice %arg2[%dma_wait3A_36, %dma_wait3A_37] : memref<10000x128xf32, #tpu.memory_space<hbm>> -> memref<10000x128xf32, #tpu.memory_space<hbm>>
      tpu.wait_indirect_dma semaphore(%arg10 : memref<!tpu.dma_semaphore, #tpu.memory_space<semaphore_mem>>) src(%dma_wait3A_38 : memref<10000x128xf32, #tpu.memory_space<hbm>>) dst(%arg8 : memref<128x128xf32, #tpu.memory_space<vmem>>)
      "tpu.region"() ({
        %run_scoped3A = tpu.sem_alloc : memref<!tpu.dma_semaphore, #tpu.memory_space<semaphore_mem>>
        %dma_start3A_39 = arith.constant 0 : i32
        %dma_start3A_40 = tpu.memref_slice %arg7[%add3A_28, %dma_start3A_39] : memref<79x128xi32, #tpu.memory_space<vmem>> -> memref<1x128xi32, #tpu.memory_space<vmem>>
        %dma_start3A_41 = tpu.memref_squeeze %dma_start3A_40 : memref<1x128xi32, #tpu.memory_space<vmem>> -> memref<128xi32, #tpu.memory_space<vmem>>
        %dma_start3A_42 = arith.constant 0 : i32
        %dma_start3A_43 = arith.constant 0 : i32
        %dma_start3A_44 = tpu.memref_slice %arg9[%dma_start3A_42, %dma_start3A_43] : memref<10240x128xf32, #tpu.memory_space<vmem_shared>> -> memref<10240x128xf32, #tpu.memory_space<vmem_shared>>
        tpu.enqueue_indirect_dma source(%arg8 : memref<128x128xf32, #tpu.memory_space<vmem>>) target(%dma_start3A_44 : memref<10240x128xf32, #tpu.memory_space<vmem_shared>>) offsets(%dma_start3A_41 : memref<128xi32, #tpu.memory_space<vmem>>) semaphore(%run_scoped3A : memref<!tpu.dma_semaphore, #tpu.memory_space<semaphore_mem>>) {add = true}
        %dma_wait3A_45 = arith.constant 0 : i32
        %dma_wait3A_46 = tpu.memref_slice %arg7[%add3A_28, %dma_wait3A_45] : memref<79x128xi32, #tpu.memory_space<vmem>> -> memref<1x128xi32, #tpu.memory_space<vmem>>
        %dma_wait3A_47 = tpu.memref_squeeze %dma_wait3A_46 : memref<1x128xi32, #tpu.memory_space<vmem>> -> memref<128xi32, #tpu.memory_space<vmem>>
        %dma_wait3A_48 = arith.constant 0 : i32
        %dma_wait3A_49 = arith.constant 0 : i32
        %dma_wait3A_50 = tpu.memref_slice %arg9[%dma_wait3A_48, %dma_wait3A_49] : memref<10240x128xf32, #tpu.memory_space<vmem_shared>> -> memref<10240x128xf32, #tpu.memory_space<vmem_shared>>
        tpu.wait_indirect_dma semaphore(%run_scoped3A : memref<!tpu.dma_semaphore, #tpu.memory_space<semaphore_mem>>) src(%arg8 : memref<128x128xf32, #tpu.memory_space<vmem>>) dst(%dma_wait3A_50 : memref<10240x128xf32, #tpu.memory_space<vmem_shared>>)
        tpu.yield
      }) : () -> ()
    }
    %scan3A_22 = arith.constant 79 : i32
    %barrier3A_23 = arith.constant 0 : index
    tpu.barrier barrier_id(%barrier3A_23)
    "tpu.region"() ({
      %run_scoped3A = tpu.sem_alloc : memref<!tpu.dma_semaphore, #tpu.memory_space<semaphore_mem>>
      %dma_start3A = arith.constant 0 : i32
      %dma_start3A_24 = tpu.memref_slice %arg5[%arg0, %mul3A_2, %dma_start3A] : memref<2x10240x128xf32, #tpu.memory_space<hbm>> -> memref<1x640x128xf32, #tpu.memory_space<hbm>>
      %dma_start3A_25 = tpu.memref_squeeze %dma_start3A_24 : memref<1x640x128xf32, #tpu.memory_space<hbm>> -> memref<640x128xf32, #tpu.memory_space<hbm>>
      %dma_start3A_26 = arith.constant 0 : i32
      %dma_start3A_27 = tpu.memref_slice %arg9[%mul3A_2, %dma_start3A_26] : memref<10240x128xf32, #tpu.memory_space<vmem_shared>> -> memref<640x128xf32, #tpu.memory_space<vmem_shared>>
      tpu.enqueue_dma source(%dma_start3A_27 : memref<640x128xf32, #tpu.memory_space<vmem_shared>>) target(%dma_start3A_25 : memref<640x128xf32, #tpu.memory_space<hbm>>) target_semaphore(%run_scoped3A : memref<!tpu.dma_semaphore, #tpu.memory_space<semaphore_mem>>)
      %dma_wait3A = arith.constant 0 : i32
      %dma_wait3A_28 = tpu.memref_slice %arg5[%arg0, %mul3A_2, %dma_wait3A] : memref<2x10240x128xf32, #tpu.memory_space<hbm>> -> memref<1x640x128xf32, #tpu.memory_space<hbm>>
      %dma_wait3A_29 = tpu.memref_squeeze %dma_wait3A_28 : memref<1x640x128xf32, #tpu.memory_space<hbm>> -> memref<640x128xf32, #tpu.memory_space<hbm>>
      %dma_wait3A_30 = arith.constant 0 : i32
      %dma_wait3A_31 = tpu.memref_slice %arg9[%mul3A_2, %dma_wait3A_30] : memref<10240x128xf32, #tpu.memory_space<vmem_shared>> -> memref<640x128xf32, #tpu.memory_space<vmem_shared>>
      tpu.wait_dma2 semaphore(%run_scoped3A : memref<!tpu.dma_semaphore, #tpu.memory_space<semaphore_mem>>) src(%dma_wait3A_31 : memref<640x128xf32, #tpu.memory_space<vmem_shared>>) dst(%dma_wait3A_29 : memref<640x128xf32, #tpu.memory_space<hbm>>)
      tpu.yield
    }) : () -> ()
    return
  }
}

module attributes {stable_mosaic.version = 14 : i64} {
  func.func @body(%arg0: memref<2x10240x128xf32, #tpu.memory_space<vmem>>, %arg1: memref<10000x128xf32, #tpu.memory_space<vmem>>, %arg2: memref<256x128xf32, #tpu.memory_space<vmem>>, %arg3: memref<1x128xf32, #tpu.memory_space<vmem>>, %arg4: memref<128x128xf32, #tpu.memory_space<vmem>>, %arg5: memref<1x128xf32, #tpu.memory_space<vmem>>, %arg6: memref<10000x128xf32, #tpu.memory_space<vmem>>, %arg7: memref<10000x128xf32, #tpu.memory_space<vmem>>) attributes {dimension_semantics = [], scalar_prefetch = 0 : i64, scratch_operands = 0 : i64, tpu.core_type = #tpu.core_type<tc>} {
    %get3A = arith.constant 0 : index
    %get3A_0 = arith.constant 0 : index
    %get3A_1 = arith.constant 0 : index
    %get3A_2 = vector.load %arg0[%get3A, %get3A_0, %get3A_1] : memref<2x10240x128xf32, #tpu.memory_space<vmem>>, vector<1x10000x128xf32>
    %get3A_3 = vector.shape_cast %get3A_2 : vector<1x10000x128xf32> to vector<10000x128xf32>
    %get3A_4 = arith.constant 1 : index
    %get3A_5 = arith.constant 0 : index
    %get3A_6 = arith.constant 0 : index
    %get3A_7 = vector.load %arg0[%get3A_4, %get3A_5, %get3A_6] : memref<2x10240x128xf32, #tpu.memory_space<vmem>>, vector<1x10000x128xf32>
    %get3A_8 = vector.shape_cast %get3A_7 : vector<1x10000x128xf32> to vector<10000x128xf32>
    %add3A = arith.addf %get3A_3, %get3A_8 : vector<10000x128xf32>
    %get3A_9 = arith.constant 0 : index
    %get3A_10 = arith.constant 0 : index
    %get3A_11 = vector.load %arg1[%get3A_9, %get3A_10] : memref<10000x128xf32, #tpu.memory_space<vmem>>, vector<10000x128xf32>
    %get3A_12 = arith.constant 0 : index
    %get3A_13 = arith.constant 0 : index
    %get3A_14 = vector.load %arg2[%get3A_12, %get3A_13] : memref<256x128xf32, #tpu.memory_space<vmem>>, vector<128x128xf32>
    %dot_general3A = arith.constant dense<0.000000e+00> : vector<10000x128xf32>
    %dot_general3A_15 = tpu.matmul %add3A, %get3A_14, %dot_general3A {dimension_numbers = #tpu.dot_dimension_numbers<[1], [0], [0], [1], [0, 0, 1, 1], [], []>, transpose_lhs_hint = false} : vector<10000x128xf32>, vector<128x128xf32>, vector<10000x128xf32> -> vector<10000x128xf32>
    %get3A_16 = arith.constant 128 : index
    %get3A_17 = arith.constant 0 : index
    %get3A_18 = vector.load %arg2[%get3A_16, %get3A_17] : memref<256x128xf32, #tpu.memory_space<vmem>>, vector<128x128xf32>
    %dot_general3A_19 = arith.constant dense<0.000000e+00> : vector<10000x128xf32>
    %dot_general3A_20 = tpu.matmul %get3A_11, %get3A_18, %dot_general3A_19 {dimension_numbers = #tpu.dot_dimension_numbers<[1], [0], [0], [1], [0, 0, 1, 1], [], []>, transpose_lhs_hint = false} : vector<10000x128xf32>, vector<128x128xf32>, vector<10000x128xf32> -> vector<10000x128xf32>
    %add3A_21 = arith.addf %dot_general3A_15, %dot_general3A_20 : vector<10000x128xf32>
    %get3A_22 = arith.constant 0 : index
    %get3A_23 = arith.constant 0 : index
    %get3A_24 = vector.load %arg3[%get3A_22, %get3A_23] : memref<1x128xf32, #tpu.memory_space<vmem>>, vector<1x128xf32>
    %add3A_25 = vector.broadcast %get3A_24 : vector<1x128xf32> to vector<10000x128xf32>
    %add3A_26 = arith.addf %add3A_21, %add3A_25 : vector<10000x128xf32>
    %max3A = arith.constant 0.000000e+00 : f32
    %max3A_27 = vector.broadcast %max3A : f32 to vector<10000x128xf32>
    %max3A_28 = arith.maximumf %add3A_26, %max3A_27 : vector<10000x128xf32>
    %mul3A = arith.mulf %max3A_28, %max3A_28 : vector<10000x128xf32>
    %reduce_sum3A = arith.constant dense<0.000000e+00> : vector<10000xf32>
    %reduce_sum3A_29 = vector.multi_reduction <add>, %mul3A, %reduce_sum3A [1] : vector<10000x128xf32> to vector<10000xf32>
    %broadcast_in_dim3A = vector.shape_cast %reduce_sum3A_29 : vector<10000xf32> to vector<10000x1xf32>
    %sqrt3A = math.sqrt %broadcast_in_dim3A : vector<10000x1xf32>
    %max3A_30 = arith.constant 9.99999996E-13 : f32
    %max3A_31 = vector.broadcast %max3A_30 : f32 to vector<10000x1xf32>
    %max3A_32 = arith.maximumf %sqrt3A, %max3A_31 : vector<10000x1xf32>
    %div3A = vector.broadcast %max3A_32 : vector<10000x1xf32> to vector<10000x128xf32>
    %div3A_33 = arith.divf %max3A_28, %div3A : vector<10000x128xf32>
    %swap3A = arith.constant 0 : index
    %swap3A_34 = arith.constant 0 : index
    %swap3A_35 = vector.load %arg6[%swap3A, %swap3A_34] : memref<10000x128xf32, #tpu.memory_space<vmem>>, vector<10000x128xf32>
    tpu.vector_store %arg6[%swap3A, %swap3A_34], %div3A_33 {strides = array<i32>} : memref<10000x128xf32, #tpu.memory_space<vmem>>, vector<10000x128xf32>,
    %get3A_36 = arith.constant 0 : index
    %get3A_37 = arith.constant 0 : index
    %get3A_38 = vector.load %arg4[%get3A_36, %get3A_37] : memref<128x128xf32, #tpu.memory_space<vmem>>, vector<128x128xf32>
    %dot_general3A_39 = arith.constant dense<0.000000e+00> : vector<10000x128xf32>
    %dot_general3A_40 = tpu.matmul %div3A_33, %get3A_38, %dot_general3A_39 {dimension_numbers = #tpu.dot_dimension_numbers<[1], [0], [0], [1], [0, 0, 1, 1], [], []>, transpose_lhs_hint = false} : vector<10000x128xf32>, vector<128x128xf32>, vector<10000x128xf32> -> vector<10000x128xf32>
    %get3A_41 = arith.constant 0 : index
    %get3A_42 = arith.constant 0 : index
    %get3A_43 = vector.load %arg5[%get3A_41, %get3A_42] : memref<1x128xf32, #tpu.memory_space<vmem>>, vector<1x128xf32>
    %add3A_44 = vector.broadcast %get3A_43 : vector<1x128xf32> to vector<10000x128xf32>
    %add3A_45 = arith.addf %dot_general3A_40, %add3A_44 : vector<10000x128xf32>
    %max3A_46 = arith.constant 0.000000e+00 : f32
    %max3A_47 = vector.broadcast %max3A_46 : f32 to vector<10000x128xf32>
    %max3A_48 = arith.maximumf %add3A_45, %max3A_47 : vector<10000x128xf32>
    %swap3A_49 = arith.constant 0 : index
    %swap3A_50 = arith.constant 0 : index
    %swap3A_51 = vector.load %arg7[%swap3A_49, %swap3A_50] : memref<10000x128xf32, #tpu.memory_space<vmem>>, vector<10000x128xf32>
    tpu.vector_store %arg7[%swap3A_49, %swap3A_50], %max3A_48 {strides = array<i32>} : memref<10000x128xf32, #tpu.memory_space<vmem>>, vector<10000x128xf32>,
    return
  }
}

module attributes {stable_mosaic.version = 14 : i64} {
  func.func @body(%arg0: memref<10000x128xf32, #tpu.memory_space<vmem>>, %arg1: memref<128x128xf32, #tpu.memory_space<vmem>>, %arg2: memref<1x128xf32, #tpu.memory_space<vmem>>, %arg3: memref<10000x128xf32, #tpu.memory_space<vmem>>) attributes {dimension_semantics = [], scalar_prefetch = 0 : i64, scratch_operands = 0 : i64, tpu.core_type = #tpu.core_type<tc>} {
    %get3A = arith.constant 0 : index
    %get3A_0 = arith.constant 0 : index
    %get3A_1 = vector.load %arg0[%get3A, %get3A_0] : memref<10000x128xf32, #tpu.memory_space<vmem>>, vector<10000x128xf32>
    %get3A_2 = arith.constant 0 : index
    %get3A_3 = arith.constant 0 : index
    %get3A_4 = vector.load %arg1[%get3A_2, %get3A_3] : memref<128x128xf32, #tpu.memory_space<vmem>>, vector<128x128xf32>
    %dot_general3A = arith.constant dense<0.000000e+00> : vector<10000x128xf32>
    %dot_general3A_5 = tpu.matmul %get3A_1, %get3A_4, %dot_general3A {dimension_numbers = #tpu.dot_dimension_numbers<[1], [0], [0], [1], [0, 0, 1, 1], [], []>, transpose_lhs_hint = false} : vector<10000x128xf32>, vector<128x128xf32>, vector<10000x128xf32> -> vector<10000x128xf32>
    %get3A_6 = arith.constant 0 : index
    %get3A_7 = arith.constant 0 : index
    %get3A_8 = vector.load %arg2[%get3A_6, %get3A_7] : memref<1x128xf32, #tpu.memory_space<vmem>>, vector<1x128xf32>
    %add3A = vector.broadcast %get3A_8 : vector<1x128xf32> to vector<10000x128xf32>
    %add3A_9 = arith.addf %dot_general3A_5, %add3A : vector<10000x128xf32>
    %max3A = arith.constant 0.000000e+00 : f32
    %max3A_10 = vector.broadcast %max3A : f32 to vector<10000x128xf32>
    %max3A_11 = arith.maximumf %add3A_9, %max3A_10 : vector<10000x128xf32>
    %swap3A = arith.constant 0 : index
    %swap3A_12 = arith.constant 0 : index
    %swap3A_13 = vector.load %arg3[%swap3A, %swap3A_12] : memref<10000x128xf32, #tpu.memory_space<vmem>>, vector<10000x128xf32>
    tpu.vector_store %arg3[%swap3A, %swap3A_12], %max3A_11 {strides = array<i32>} : memref<10000x128xf32, #tpu.memory_space<vmem>>, vector<10000x128xf32>,
    return
  }
}

module attributes {stable_mosaic.version = 14 : i64} {
  func.func @body(%arg0: memref<2x10240x128xf32, #tpu.memory_space<vmem>>, %arg1: memref<10000x128xf32, #tpu.memory_space<vmem>>, %arg2: memref<256x128xf32, #tpu.memory_space<vmem>>, %arg3: memref<1x128xf32, #tpu.memory_space<vmem>>, %arg4: memref<256x128xf32, #tpu.memory_space<vmem>>, %arg5: memref<128x2xf32, #tpu.memory_space<vmem>>, %arg6: memref<10000x128xf32, #tpu.memory_space<vmem>>) attributes {dimension_semantics = [], scalar_prefetch = 0 : i64, scratch_operands = 0 : i64, tpu.core_type = #tpu.core_type<tc>} {
    %get3A = arith.constant 0 : index
    %get3A_0 = arith.constant 0 : index
    %get3A_1 = arith.constant 0 : index
    %get3A_2 = vector.load %arg0[%get3A, %get3A_0, %get3A_1] : memref<2x10240x128xf32, #tpu.memory_space<vmem>>, vector<1x10000x128xf32>
    %get3A_3 = vector.shape_cast %get3A_2 : vector<1x10000x128xf32> to vector<10000x128xf32>
    %get3A_4 = arith.constant 1 : index
    %get3A_5 = arith.constant 0 : index
    %get3A_6 = arith.constant 0 : index
    %get3A_7 = vector.load %arg0[%get3A_4, %get3A_5, %get3A_6] : memref<2x10240x128xf32, #tpu.memory_space<vmem>>, vector<1x10000x128xf32>
    %get3A_8 = vector.shape_cast %get3A_7 : vector<1x10000x128xf32> to vector<10000x128xf32>
    %add3A = arith.addf %get3A_3, %get3A_8 : vector<10000x128xf32>
    %get3A_9 = arith.constant 0 : index
    %get3A_10 = arith.constant 0 : index
    %get3A_11 = vector.load %arg1[%get3A_9, %get3A_10] : memref<10000x128xf32, #tpu.memory_space<vmem>>, vector<10000x128xf32>
    %get3A_12 = arith.constant 0 : index
    %get3A_13 = arith.constant 0 : index
    %get3A_14 = vector.load %arg2[%get3A_12, %get3A_13] : memref<256x128xf32, #tpu.memory_space<vmem>>, vector<128x128xf32>
    %dot_general3A = arith.constant dense<0.000000e+00> : vector<10000x128xf32>
    %dot_general3A_15 = tpu.matmul %add3A, %get3A_14, %dot_general3A {dimension_numbers = #tpu.dot_dimension_numbers<[1], [0], [0], [1], [0, 0, 1, 1], [], []>, transpose_lhs_hint = false} : vector<10000x128xf32>, vector<128x128xf32>, vector<10000x128xf32> -> vector<10000x128xf32>
    %get3A_16 = arith.constant 128 : index
    %get3A_17 = arith.constant 0 : index
    %get3A_18 = vector.load %arg2[%get3A_16, %get3A_17] : memref<256x128xf32, #tpu.memory_space<vmem>>, vector<128x128xf32>
    %dot_general3A_19 = arith.constant dense<0.000000e+00> : vector<10000x128xf32>
    %dot_general3A_20 = tpu.matmul %get3A_11, %get3A_18, %dot_general3A_19 {dimension_numbers = #tpu.dot_dimension_numbers<[1], [0], [0], [1], [0, 0, 1, 1], [], []>, transpose_lhs_hint = false} : vector<10000x128xf32>, vector<128x128xf32>, vector<10000x128xf32> -> vector<10000x128xf32>
    %add3A_21 = arith.addf %dot_general3A_15, %dot_general3A_20 : vector<10000x128xf32>
    %get3A_22 = arith.constant 0 : index
    %get3A_23 = arith.constant 0 : index
    %get3A_24 = vector.load %arg3[%get3A_22, %get3A_23] : memref<1x128xf32, #tpu.memory_space<vmem>>, vector<1x128xf32>
    %add3A_25 = vector.broadcast %get3A_24 : vector<1x128xf32> to vector<10000x128xf32>
    %add3A_26 = arith.addf %add3A_21, %add3A_25 : vector<10000x128xf32>
    %max3A = arith.constant 0.000000e+00 : f32
    %max3A_27 = vector.broadcast %max3A : f32 to vector<10000x128xf32>
    %max3A_28 = arith.maximumf %add3A_26, %max3A_27 : vector<10000x128xf32>
    %mul3A = arith.mulf %max3A_28, %max3A_28 : vector<10000x128xf32>
    %reduce_sum3A = arith.constant dense<0.000000e+00> : vector<10000xf32>
    %reduce_sum3A_29 = vector.multi_reduction <add>, %mul3A, %reduce_sum3A [1] : vector<10000x128xf32> to vector<10000xf32>
    %broadcast_in_dim3A = vector.shape_cast %reduce_sum3A_29 : vector<10000xf32> to vector<10000x1xf32>
    %sqrt3A = math.sqrt %broadcast_in_dim3A : vector<10000x1xf32>
    %max3A_30 = arith.constant 9.99999996E-13 : f32
    %max3A_31 = vector.broadcast %max3A_30 : f32 to vector<10000x1xf32>
    %max3A_32 = arith.maximumf %sqrt3A, %max3A_31 : vector<10000x1xf32>
    %div3A = vector.broadcast %max3A_32 : vector<10000x1xf32> to vector<10000x128xf32>
    %div3A_33 = arith.divf %max3A_28, %div3A : vector<10000x128xf32>
    %get3A_34 = arith.constant 0 : index
    %get3A_35 = arith.constant 0 : index
    %get3A_36 = vector.load %arg5[%get3A_34, %get3A_35] : memref<128x2xf32, #tpu.memory_space<vmem>>, vector<128x2xf32>
    %get3A_37 = arith.constant 0 : index
    %get3A_38 = arith.constant 0 : index
    %get3A_39 = vector.load %arg4[%get3A_37, %get3A_38] : memref<256x128xf32, #tpu.memory_space<vmem>>, vector<128x128xf32>
    %dot_general3A_40 = arith.constant dense<0.000000e+00> : vector<128x2xf32>
    %dot_general3A_41 = tpu.matmul %get3A_39, %get3A_36, %dot_general3A_40 {dimension_numbers = #tpu.dot_dimension_numbers<[1], [0], [0], [1], [0, 0, 1, 1], [], []>, transpose_lhs_hint = false} : vector<128x128xf32>, vector<128x2xf32>, vector<128x2xf32> -> vector<128x2xf32>
    %get3A_42 = arith.constant 128 : index
    %get3A_43 = arith.constant 0 : index
    %get3A_44 = vector.load %arg4[%get3A_42, %get3A_43] : memref<256x128xf32, #tpu.memory_space<vmem>>, vector<128x128xf32>
    %dot_general3A_45 = arith.constant dense<0.000000e+00> : vector<128x2xf32>
    %dot_general3A_46 = tpu.matmul %get3A_44, %get3A_36, %dot_general3A_45 {dimension_numbers = #tpu.dot_dimension_numbers<[1], [0], [0], [1], [0, 0, 1, 1], [], []>, transpose_lhs_hint = false} : vector<128x128xf32>, vector<128x2xf32>, vector<128x2xf32> -> vector<128x2xf32>
    %broadcast_in_dim3A_47 = arith.constant 0.000000e+00 : f32
    %broadcast_in_dim3A_48 = vector.broadcast %broadcast_in_dim3A_47 : f32 to vector<128x14xf32>
    %broadcast_in_dim3A_49 = arith.constant 0.000000e+00 : f32
    %broadcast_in_dim3A_50 = vector.broadcast %broadcast_in_dim3A_49 : f32 to vector<128x110xf32>
    %concatenate3A = tpu.concatenate %dot_general3A_41, %broadcast_in_dim3A_48, %dot_general3A_46, %broadcast_in_dim3A_50 in 1 : vector<128x2xf32>, vector<128x14xf32>, vector<128x2xf32>, vector<128x110xf32> -> vector<128x128xf32>
    %dot_general3A_51 = arith.constant dense<0.000000e+00> : vector<10000x128xf32>
    %dot_general3A_52 = tpu.matmul %div3A_33, %concatenate3A, %dot_general3A_51 {dimension_numbers = #tpu.dot_dimension_numbers<[1], [0], [0], [1], [0, 0, 1, 1], [], []>, transpose_lhs_hint = false} : vector<10000x128xf32>, vector<128x128xf32>, vector<10000x128xf32> -> vector<10000x128xf32>
    %swap3A = arith.constant 0 : index
    %swap3A_53 = arith.constant 0 : index
    %swap3A_54 = vector.load %arg6[%swap3A, %swap3A_53] : memref<10000x128xf32, #tpu.memory_space<vmem>>, vector<10000x128xf32>
    tpu.vector_store %arg6[%swap3A, %swap3A_53], %dot_general3A_52 {strides = array<i32>} : memref<10000x128xf32, #tpu.memory_space<vmem>>, vector<10000x128xf32>,
    return
  }
}

module attributes {stable_mosaic.version = 14 : i64} {
  func.func @body(%arg0: memref<4096x128xf32, #tpu.memory_space<vmem>>, %arg1: memref<4096x128xf32, #tpu.memory_space<vmem>>, %arg2: memref<1x128xf32, #tpu.memory_space<vmem>>, %arg3: memref<128x2xf32, #tpu.memory_space<vmem>>, %arg4: memref<1x2xf32, #tpu.memory_space<vmem>>, %arg5: memref<4096x2xf32, #tpu.memory_space<vmem>>) attributes {dimension_semantics = [], scalar_prefetch = 0 : i64, scratch_operands = 0 : i64, tpu.core_type = #tpu.core_type<tc>} {
    %get3A = arith.constant 0 : index
    %get3A_0 = arith.constant 0 : index
    %get3A_1 = vector.load %arg2[%get3A, %get3A_0] : memref<1x128xf32, #tpu.memory_space<vmem>>, vector<1x128xf32>
    %get3A_2 = arith.constant 0 : index
    %get3A_3 = arith.constant 0 : index
    %get3A_4 = vector.load %arg3[%get3A_2, %get3A_3] : memref<128x2xf32, #tpu.memory_space<vmem>>, vector<128x2xf32>
    %dot_general3A = arith.constant dense<0.000000e+00> : vector<1x2xf32>
    %dot_general3A_5 = tpu.matmul %get3A_1, %get3A_4, %dot_general3A {dimension_numbers = #tpu.dot_dimension_numbers<[1], [0], [0], [1], [0, 0, 1, 1], [], []>, transpose_lhs_hint = false} : vector<1x128xf32>, vector<128x2xf32>, vector<1x2xf32> -> vector<1x2xf32>
    %get3A_6 = arith.constant 0 : index
    %get3A_7 = arith.constant 0 : index
    %get3A_8 = vector.load %arg4[%get3A_6, %get3A_7] : memref<1x2xf32, #tpu.memory_space<vmem>>, vector<1x2xf32>
    %add3A = arith.addf %dot_general3A_5, %get3A_8 : vector<1x2xf32>
    %get3A_9 = arith.constant 0 : index
    %get3A_10 = arith.constant 0 : index
    %get3A_11 = vector.load %arg0[%get3A_9, %get3A_10] : memref<4096x128xf32, #tpu.memory_space<vmem>>, vector<4096x2xf32>
    %get3A_12 = arith.constant 0 : index
    %get3A_13 = arith.constant 16 : index
    %get3A_14 = vector.load %arg1[%get3A_12, %get3A_13] : memref<4096x128xf32, #tpu.memory_space<vmem>>, vector<4096x2xf32>
    %add3A_15 = arith.addf %get3A_11, %get3A_14 : vector<4096x2xf32>
    %add3A_16 = vector.broadcast %add3A : vector<1x2xf32> to vector<4096x2xf32>
    %add3A_17 = arith.addf %add3A_15, %add3A_16 : vector<4096x2xf32>
    %reduce_max3A = arith.constant dense<0xFF800000> : vector<4096xf32>
    %reduce_max3A_18 = vector.multi_reduction <maximumf>, %add3A_17, %reduce_max3A [1] : vector<4096x2xf32> to vector<4096xf32>
    %broadcast_in_dim3A = vector.shape_cast %reduce_max3A_18 : vector<4096xf32> to vector<4096x1xf32>
    %sub3A = vector.broadcast %broadcast_in_dim3A : vector<4096x1xf32> to vector<4096x2xf32>
    %sub3A_19 = arith.subf %add3A_17, %sub3A : vector<4096x2xf32>
    %exp3A = math.exp %sub3A_19 : vector<4096x2xf32>
    %reduce_sum3A = arith.constant dense<0.000000e+00> : vector<4096xf32>
    %reduce_sum3A_20 = vector.multi_reduction <add>, %exp3A, %reduce_sum3A [1] : vector<4096x2xf32> to vector<4096xf32>
    %broadcast_in_dim3A_21 = vector.shape_cast %reduce_sum3A_20 : vector<4096xf32> to vector<4096x1xf32>
    %log3A = math.log %broadcast_in_dim3A_21 : vector<4096x1xf32>
    %add3A_22 = arith.addf %broadcast_in_dim3A, %log3A : vector<4096x1xf32>
    %sub3A_23 = vector.broadcast %add3A_22 : vector<4096x1xf32> to vector<4096x2xf32>
    %sub3A_24 = arith.subf %add3A_17, %sub3A_23 : vector<4096x2xf32>
    %swap3A = arith.constant 0 : index
    %swap3A_25 = arith.constant 0 : index
    %swap3A_26 = vector.load %arg5[%swap3A, %swap3A_25] : memref<4096x2xf32, #tpu.memory_space<vmem>>, vector<4096x2xf32>
    tpu.vector_store %arg5[%swap3A, %swap3A_25], %sub3A_24 {strides = array<i32>} : memref<4096x2xf32, #tpu.memory_space<vmem>>, vector<4096x2xf32>,
    return
  }
}

</mosaic_0001>

<sc_bundles>
// kernel: kernel.12.cloned.1.call-start
scs
__scs_entry_jumppad:
0x0: {  	(pc) =	sbr.rel $0x88, $3  }
0x1: {  	(tag) =	ssettag $0x0;
	lr =	simm.s32 $0x1  }
0x2: {  	[smem:$0x3F92] =	sst lr;
	_ =	strace $0xD0000000  }
0x3: {  	_ = 	snop  }
0x4: {  	_ = 	snop  }
0x5: {  	_ = 	snop  }
0x6: {  	_ = 	snop  }
0x7: {  	_ = 	snop  }
__scs_overlays_trampoline_lowered:
0x8: {  	[smem:$0x3FA1] =	sst s0  }
0x9: {  	[smem:$0x3FA2] =	sst s1  }
0xa: {  	[smem:$0x3FA3] =	sst s2  }
0xb: {  	[smem:$0x3FA4] =	sst s3  }
0xc: {  	[smem:$0x3FA5] =	sst s4  }
0xd: {  	[smem:$0x3FA6] =	sst s5  }
0xe: {  	[smem:$0x3FA7] =	sst s6  }
0xf: {  	[smem:$0x3FA8] =	sst s7  }
0x10: {  	[smem:$0x3FA9] =	sst s8  }
0x11: {  	[smem:$0x3FAA] =	sst s9;
	s0 =	simm.s32 @!p0 $0x0  }
0x12: {  	s1 =	sld [smem:$0x3F90];
	s0 =	simm.s32 @p0 $0x1  }
0x13: {  	[smem:$0x3FAB] =	sst s0;
	s0 =	simm.s32 @!p1 $0x0  }
0x14: {  	s2 =	sld [smem:$0x3F8F];
	s0 =	simm.s32 @p1 $0x1  }
0x15: {  	[smem:$0x3FAC] =	sst s0;
	s0 =	simm.s32 @!p2 $0x0  }
0x16: {  	s3 =	sld [smem:$0x3FDB];
	s0 =	simm.s32 @p2 $0x1  }
0x17: {  	s4 =	simm.s32 $0x1BF5;
	[smem:$0x3FAE] =	sst s0  }
0x18: {  	s0 =	sld [smem:$0x3F91];
	_ =	swait.ge [sflag:s4], $0x0  }
0x19: {  	s7 =	sld [smem:$0x3F92]  }
0x1a: {  	s8 =	sadd.s32 $0xFFFFE003, lr  }
0x1b: {  	s9 =	sadd.s32 $0xFFFFFEF7, lr;
	s5 =	simm.s32 $0xFFFFFFFF;
	p2 =	slt.u32 s8, $0xFFFFF086  }
0x1c: {  	p1 =	slt.u32 s9, $0xF7A;
	s5 =	simm.s32 @!p2 $0x0  }
0x1d: {  	s5 =	simm.s32 @p1 $0x1;
	p0 =	seq.s32 s7, s2  }
0x1e: {  	s7 =	smul.u32 @!p0 $0xF7A, s2;
	p2 =	seq.s32 @!p0 s5, $0x0  }
0x1f: {  	s9 =	smul.u32 $0xF7A, s1;
	s8 =	simm.s32 @!p0 $0x1BF5;
	p2 =	por !p2, p0  }
0x20: {  	[sflag:s8] =	ssyncset.s32 @!p0 $0xFFFFF086;
	s6 =	sadd.s32 @!p0 s3, s7;
	s7 =	simm.s32 @!p0 $0x108  }
0x21: {  	s3 =	sadd.s32 s3, s9;
	s6 =	sadd.s32 @!p0 $0x88, s6;
	s7 =	simm.s32 @p2 $0x1082  }
0x22: {  	[simem:s7], [sflag:s8] =	dma.local @!p0 [hbm:s6], $0xF7A  }
0x23: {  	s9 =	sor.u32 $0xD0000000, s2;
	s6 =	simm.s32 $0x108;
	_ =	swait.ge @!p0 [sflag:s8], $0x0  }
0x24: {  	s3 =	sadd.s32 $0x88, s3;
	s6 =	simm.s32 @!p1 $0x1082;
	[sflag:s4] =	ssyncset.s32 $0xFFFFF086  }
0x25: {  	[simem:s6], [sflag:s4] =	dma.local [hbm:s3], $0xF7A  }
0x26: {  	[smem:$0x3F92] =	sst s1;
	(tag) =	ssettag s2;
	_ =	strace s9  }
0x27: {  	s1 =	sld [smem:$0x3FA2]  }
0x28: {  	s2 =	sld [smem:$0x3FA3]  }
0x29: {  	s4 =	sld [smem:$0x3FA5]  }
0x2a: {  	p0 =	seq.s32 s5, $0x0;
	s5 =	sld [smem:$0x3FA6]  }
0x2b: {  	s6 =	sld [smem:$0x3FA7]  }
0x2c: {  	s7 =	sld [smem:$0x3FA8]  }
0x2d: {  	s3 =	simm.s32 $0x108;
	s8 =	sld [smem:$0x3FA9]  }
0x2e: {  	s3 =	simm.s32 @!p0 $0x1082;
	s9 =	sld [smem:$0x3FAA]  }
0x2f: {  	lr =	sadd.s32 s0, s3;
	s0 =	sld [smem:$0x3FA1]  }
0x30: {  	s3 =	sld [smem:$0x3FA4]  }
0x31: {  	[smem:$0x3FAD] =	sst s10  }
0x32: {  	s10 =	sld [smem:$0x3FAB];
	_ =	sdelay $0x3  }
0x33: {  	p0 =	seq.s32 s10, $0x1;
	s10 =	sld [smem:$0x3FAD];
	_ =	sdelay $0x3  }
0x34: {  	[smem:$0x3FAD] =	sst s10  }
0x35: {  	s10 =	sld [smem:$0x3FAC];
	_ =	sdelay $0x3  }
0x36: {  	p1 =	seq.s32 s10, $0x1;
	s10 =	sld [smem:$0x3FAD];
	_ =	sdelay $0x3  }
0x37: {  	[smem:$0x3FAD] =	sst s10  }
0x38: {  	s10 =	sld [smem:$0x3FAE]  }
0x39: {  	_ = 	snop;
	(pc) =	sbr.ind lr, $3  }
0x3a: {  	_ = 	snop  }
0x3b: {  	_ = 	snop  }
0x3c: {  	p2 =	seq.s32 s10, $0x1;
	s10 =	sld [smem:$0x3FAD]  }
0x3d: {  	_ =	shalt  }
0x3e: {  	_ =	shalt  }
0x3f: {  	_ =	shalt  }
0x40: {  	_ =	shalt  }
0x41: {  	_ =	shalt  }
0x42: {  	_ =	shalt  }
0x43: {  	_ =	shalt  }
0x44: {  	_ =	shalt  }
0x45: {  	_ =	shalt  }
0x46: {  	_ =	shalt  }
0x47: {  	_ =	shalt  }
0x48: {  	_ =	shalt  }
0x49: {  	_ =	shalt  }
0x4a: {  	_ =	shalt  }
0x4b: {  	_ =	shalt  }
0x4c: {  	_ =	shalt  }
0x4d: {  	_ =	shalt  }
0x4e: {  	_ =	shalt  }
0x4f: {  	_ =	shalt  }
0x50: {  	_ =	shalt  }
0x51: {  	_ =	shalt  }
0x52: {  	_ =	shalt  }
0x53: {  	_ =	shalt  }
0x54: {  	_ =	shalt  }
0x55: {  	_ =	shalt  }
0x56: {  	_ =	shalt  }
0x57: {  	_ =	shalt  }
0x58: {  	_ =	shalt  }
0x59: {  	_ =	shalt  }
0x5a: {  	_ =	shalt  }
0x5b: {  	_ =	shalt  }
0x5c: {  	_ =	shalt  }
0x5d: {  	_ =	shalt  }
0x5e: {  	_ =	shalt  }
0x5f: {  	_ =	shalt  }
0x60: {  	_ =	shalt  }
0x61: {  	_ =	shalt  }
0x62: {  	_ =	shalt  }
0x63: {  	_ =	shalt  }
0x64: {  	_ =	shalt  }
0x65: {  	_ =	shalt  }
0x66: {  	_ =	shalt  }
0x67: {  	_ =	shalt  }
0x68: {  	_ =	shalt  }
0x69: {  	_ =	shalt  }
0x6a: {  	_ =	shalt  }
0x6b: {  	_ =	shalt  }
0x6c: {  	_ =	shalt  }
0x6d: {  	_ =	shalt  }
0x6e: {  	_ =	shalt  }
0x6f: {  	_ =	shalt  }
0x70: {  	_ =	shalt  }
0x71: {  	_ =	shalt  }
0x72: {  	_ =	shalt  }
0x73: {  	_ =	shalt  }
0x74: {  	_ =	shalt  }
0x75: {  	_ =	shalt  }
0x76: {  	_ =	shalt  }
0x77: {  	_ =	shalt  }
0x78: {  	_ =	shalt  }
0x79: {  	_ =	shalt  }
0x7a: {  	_ =	shalt  }
0x7b: {  	_ =	shalt  }
0x7c: {  	_ =	shalt  }
0x7d: {  	_ =	shalt  }
0x7e: {  	_ =	shalt  }
0x7f: {  	_ =	shalt  }
0x80: {  	_ =	shalt  }
0x81: {  	_ =	shalt  }
0x82: {  	_ =	shalt  }
0x83: {  	_ =	shalt  }
0x84: {  	_ =	shalt  }
0x85: {  	_ =	shalt  }
0x86: {  	_ =	shalt  }
0x87: {  	_ =	shalt  }
.Lfunc_end0:
.L_simem_size_0:
called_computation.1_lowered:
.L_overlay_start_0:
0x88: {  	s2 =	sld [smem:$0x3FD9]  }
0x89: {  	s3 =	sld [smem:$0x3FFE];
	_ =	sdelay $0x1  }
0x8a: {  	s1 =	srdreg.scid  }
0x8b: {  	s0 =	sand.u32 $0x1, s1  }
0x8c: {  	s16 =	sshll.u32 s0, $0xA;
	s2 =	sadd.s32 s3, s2  }
0x8d: {  	s2 =	sadd.s32 s2, s16  }
0x8e: {  	[smem:$0x3FB9] =	sst s2  }
0x8f: {  	_ = 	snop  }
0x90: {  	(tm) =	ssettm $0x1  }
0x91: {  	s17 =	sld [smem:$0x3FFB];
	_ =	sdelay $0x3  }
0x92: {  	_ =	strace s17  }
0x93: {  	s2 =	sld [smem:$0x3FFC];
	_ =	sdelay $0x3  }
0x94: {  	_ =	strace s2  }
0x95: {  	s2 =	sld [smem:$0x3FFD];
	_ =	sdelay $0x3  }
0x96: {  	_ =	strace s2  }
0x97: {  	_ =	strace $0x8FFFFFFF  }
0x98: {  	s18 =	sld [smem:$0x3FDB];
	_ =	sdelay $0x1  }
0x99: {  	s19 =	simm.s32 $_scs_section_size  }
0x9a: {  	s4 =	simm.s32 $_size__tile_overlayer_lowered;
	s5 =	simm.s32 $_tile_overlayer_lowered  }
0x9b: {  	s22 =	simm.s32 $0x1BFF;
	s21 =	sshll.u32 s5, $0x1;
	s2 =	sadd.s32 s19, s18  }
0x9c: {  	s6 =	simm.s32 $0x0;
	s20 =	sshll.u32 s4, $0x1;
	s4 =	sadd.s32 s21, s2  }
0x9d: {  	[timem:s6], [sflag:s22] =	dma.local [hbm:s4], s20  }
0x9e: {  	_ =	swait.ge [sflag:s22], s20  }
0x9f: {  	s3 =	ssub.s32 $0x0, s20;
	[sflag:s22] =	ssyncset.done $0x0  }
0xa0: {  	[sflag:s22] =	ssyncadd.s32 s3;
	_ =	sdelay $0x1  }
0xa1: {  	s23 =	simm.s32 $0x1B8B  }
0xa2: {  	_ =	swait.ge [sflag:s23], $0x1  }
0xa3: {  	[sflag:s23] =	ssyncset.done $0x0  }
0xa4: {  	s25 =	simm.s32 $0x1B8E;
	s24 =	sld [smem:$0x3FFE];
	[sflag:s23] =	ssyncadd.s32 $0xFFFFFFFF  }
0xa5: {  	s26 =	simm.s32 $execute0_lowered;
	[smem:$0x3FD2] =	sst s25  }
0xa6: {  	s4 =	sshll.u32 s26, $0x1;
	_ =	strace $0x80000049;
	[dreg:$0x1] =	wrdreg $0xFFFFFFFF  }
0xa7: {  	s28 =	simm.s32 $_size_execute0_lowered;
	s2 =	sadd.s32 s2, s4;
	[dreg:$0x0] =	wrdreg $0x0  }
0xa8: {  	s4 =	sshll.u32 s28, $0x1;
	[dreg:$0x2] =	wrdreg s2  }
0xa9: {  	[dreg:$0x3] =	wrdreg s4  }
0xaa: {  	[dreg:$0x4] =	wrdreg $0xC0  }
0xab: {  	_ =	task [dreg:s6], $0x5FFFF  }
0xac: {  	[dreg:$0x1] =	wrdreg $0xFFFFFFFF  }
0xad: {  	[dreg:$0x0] =	wrdreg $0x60  }
0xae: {  	[dreg:$0x2] =	wrdreg s24  }
0xaf: {  	[dreg:$0x3] =	wrdreg $0x90000  }
0xb0: {  	[dreg:$0x4] =	wrdreg $0x9  }
0xb1: {  	_ =	task.clear_ibuf [dreg:s6], $0x5FFFF;
	_ =	strace $0x90000049  }
0xb2: {  	s29 =	simm.s32 $0x9;
	_ =	strace $0x8000004B  }
0xb3: {  	_ =	swait.ge [sflag:s29], $0x1  }
0xb4: {  	[sflag:s29] =	ssyncadd.s32 $0xFFFFFFFF  }
0xb5: {  	_ =	strace $0x9000004B  }
0xb6: {  	_ =	sfence  }
0xb7: {  	s30 =	sld [smem:$0x0];
	_ =	sdelay $0x2  }
0xb8: {  	s31 =	sshll.u32 s1, $0xD;
	s1 =	sshrl.u32 s1, $0x2  }
0xb9: {  	s3 =	sand.u32 $0x4000, s31;
	s1 =	sadd.s32 s1, s30  }
0xba: {  	s0 =	sor.u32 s3, s0;
	s1 =	sshll.u32 s1, $0x11  }
0xbb: {  	s0 =	sor.u32 s1, s0  }
0xbc: {  	s0 =	sadd.s32 $0x8F2B, s0  }
0xbd: {  	[sflag:s0] =	ssyncadd.remote.s32 $0x1  }
0xbe: {  	_ =	sfence.sel $0xFFFF  }
0xbf: {  	[dreg:$0x0] =	wrdreg $0xFFFFFFFF;
	(pc) =	sbr.abs _section_cstart, $3  }
0xc0: {  	[dreg:$0x1] =	wrdreg $0xFFFFFFFF  }
0xc1: {  	_ =	task.clear_ibuf [dreg:s6], $0x2FFFF;
	_ =	strace $0x9FFFFFFF  }
0xc2: {  	(tm) =	ssettm $0x7FFFFFFF  }
0xc3: {  	_ =	shalt  }
tec
execute0_lowered:
.L_overlay_start_1:
0x0: {  	(tag) =	ssettag $0x1  }
0x1: {  	s1 =	srdreg.scid;
	s6 =	rddreg [dreg:$0x0]  }
0x2: {  	s0 =	stileid.u32;
	s2 =	rddreg [dreg:$0x1];
	s3 =	simm.s32 $0x0  }
0x3: {  	s14 =	simm.s32 $0x5000;
	s15 =	simm.s32 $0x2;
	s16 =	simm.s32 $0x2800  }
0x4: {  	s17 =	simm.s32 $0x80;
	s18 =	simm.s32 $0x1;
	s5 =	sand.u32 $0x1, s1  }
0x5: {  	s26 =	sshll.u32 s0, $0x1;
	s9 =	smul.u32 $0x14000, s0;
	[smem:$0x7FF] =	sst s3  }
0x6: {  	s10 =	smul.u32 $0x50000, s0;
	s4 =	sadd.s32 $0x17A00, s6;
	s19 =	sshll.u32 s0, $0x6  }
0x7: {  	s1 =	sor.u32 s5, s26;
	s8 =	smul.u32 $0x140000, s5;
	s29 =	ssub.s32 $0x2, s5  }
0x8: {  	s19 =	sor.u32 $0x1C02, s19;
	s7 =	smul.u32 $0x500, s1;
	s1 =	rddreg [dreg:$0x2]  }
0x9: {  	_ =	strace $0x8000004A;
	s30 =	sshrl.u32 s10, $0x2;
	s31 =	sshrl.u32 s29, $0x1  }
0xa: {  	s28 =	sadd.s32 s9, s8;
	s5 =	sadd.s32 s30, s2;
	s13 =	ssub.s32 s29, s31  }
0xb: {  	s11 =	sadd.s32 s7, s6;
	s7 =	sshrl.u32 s28, $0x3;
	s8 =	sadd.s32 $0xC000, s5  }
0xc: {  	s9 =	sadd.s32 $0x10000, s5;
	s13 =	smax.u32 s13, $0x1;
	s20 =	sshrl.u32 s5, $0x3  }
0xd: {  	s12 =	sadd.s32 s7, s6;
	s6 =	sadd.s32 $0x4000, s5;
	s7 =	sadd.s32 $0x8000, s5  }
0xe: {  	v0 =	vimm.f32 $0.0e+00;
	s10 =	sadd.s32 $0xDA00, s11;
	s11 =	sadd.s32 $0x3A00, s11;
	s12 =	sadd.s32 $0x3EC00, s12  }
.LBB2_1:
0xf: {  	s21 =	simm.s32 $0x0;
	s22 =	simm.s32 $0x200  }
.LBB2_2:
0x10: {  	p0 =	sne.s32 s22, $0xFE00;
	[tilespmem:s21+$0x5070] =	vst v0  }
0x11: {  	[tilespmem:s21+$0x5000] =	vst v0  }
0x12: {  	[tilespmem:s21+$0x5010] =	vst v0  }
.Ltmp0:
0x13: {  	[tilespmem:s21+$0x5020] =	vst v0;
	(pc) =	sbr.rel @p0 .LBB2_2-.Ltmp0, $4  }
0x14: {  	[tilespmem:s21+$0x5030] =	vst v0  }
0x15: {  	[tilespmem:s21+$0x5040] =	vst v0  }
0x16: {  	[tilespmem:s21+$0x5050] =	vst v0  }
0x17: {  	[tilespmem:s21+$0x5060] =	vst v0;
	s21 =	sshra.s32 s22, $0x2;
	s22 =	sadd.s32 $0x200, s22  }
0x18: {  	[tilespmem:s21+$0x5070] =	vst v0  }
0x19: {  	[tilespmem:s21+$0x5000] =	vst v0  }
0x1a: {  	[tilespmem:s21+$0x5010] =	vst v0  }
0x1b: {  	[tilespmem:s21+$0x5020] =	vst v0  }
0x1c: {  	[tilespmem:s21+$0x5030] =	vst v0  }
0x1d: {  	[tilespmem:s21+$0x5040] =	vst v0  }
0x1e: {  	[tilespmem:s21+$0x5050] =	vst v0  }
0x1f: {  	[tilespmem:s21+$0x5060] =	vst v0  }
0x20: {  	[spmem:s5] =	stream.linear.scatter [tilespmem:s14], [sflag:$0x2], $0x4000, $0x38;
	[tilespmem:$0x1D000] =	vst v63  }
0x21: {  	_ =	swait.ge [sflag:s15], $0x4000  }
0x22: {  	[sflag:s15] =	ssyncset.done $0x0  }
0x23: {  	[sflag:s15] =	ssyncadd.s32 $0xFFFFC000  }
0x24: {  	[spmem:s6] =	stream.linear.scatter [tilespmem:s14], [sflag:$0x2], $0x4000, $0x38;
	[tilespmem:$0x1D000] =	vst v63  }
0x25: {  	_ =	swait.ge [sflag:s15], $0x4000  }
0x26: {  	[sflag:s15] =	ssyncset.done $0x0  }
0x27: {  	[sflag:s15] =	ssyncadd.s32 $0xFFFFC000  }
0x28: {  	[spmem:s7] =	stream.linear.scatter [tilespmem:s14], [sflag:$0x2], $0x4000, $0x38;
	[tilespmem:$0x1D000] =	vst v63  }
0x29: {  	_ =	swait.ge [sflag:s15], $0x4000  }
0x2a: {  	[sflag:s15] =	ssyncset.done $0x0  }
0x2b: {  	[sflag:s15] =	ssyncadd.s32 $0xFFFFC000  }
0x2c: {  	[spmem:s8] =	stream.linear.scatter [tilespmem:s14], [sflag:$0x2], $0x4000, $0x38;
	[tilespmem:$0x1D000] =	vst v63  }
0x2d: {  	_ =	swait.ge [sflag:s15], $0x4000  }
0x2e: {  	[sflag:s15] =	ssyncset.done $0x0  }
0x2f: {  	[sflag:s15] =	ssyncadd.s32 $0xFFFFC000  }
0x30: {  	[spmem:s9] =	stream.linear.scatter [tilespmem:s14], [sflag:$0x2], $0x4000, $0x38;
	[tilespmem:$0x1D000] =	vst v63  }
0x31: {  	_ =	swait.ge [sflag:s15], $0x4000  }
0x32: {  	[sflag:s15] =	ssyncset.done $0x0  }
0x33: {  	[sflag:s15] =	ssyncadd.s32 $0xFFFFC000  }
0x34: {  	s29 =	simm.s32 $0x0;
	[bflag:$0x0] =	sbarrier.arrive $0xFFFF  }
0x35: {  	[tilespmem:s29], [sflag:$0x2] =	stream.linear.gather [hbm4b:s10+s29], $0x2780, $0x38;
	[tilespmem:$0x1D000] =	vst v63  }
0x36: {  	_ =	swait.ge [sflag:s15], $0x2780  }
0x37: {  	[sflag:s15] =	ssyncset.done $0x0  }
0x38: {  	[sflag:s15] =	ssyncadd.s32 $0xFFFFD880  }
0x39: {  	[tilespmem:s16], [sflag:$0x2] =	stream.linear.gather [hbm4b:s11+s29], $0x2780, $0x38;
	[tilespmem:$0x1D000] =	vst v63  }
0x3a: {  	_ =	swait.ge [sflag:s15], $0x2780  }
0x3b: {  	[sflag:s15] =	ssyncset.done $0x0  }
0x3c: {  	s30 =	simm.s32 $0x0;
	[sflag:s15] =	ssyncadd.s32 $0xFFFFD880  }
0x3d: {  	[tilespmem:s14], [sflag:$0x1] =	stream.indirect.gather [hbm4b:s4+s17], $0x80, s30, s17, $0xb8;
	[tilespmem:$0x1D000] =	vst v63  }
0x3e: {  	_ =	swait.ge [sflag:s18], $0x4000  }
0x3f: {  	[sflag:s18] =	ssyncset.done $0x0  }
0x40: {  	s31 =	simm.s32 $0x2800;
	[sflag:s18] =	ssyncadd.s32 $0xFFFFC000  }
0x41: {  	[spmem:s2] =	stream.indirect.scatter.add.f32 [tilespmem:s14], [sflag:$0x2], $0x80, s31, s17, $0xb8;
	[tilespmem:$0x1D000] =	vst v63  }
0x42: {  	_ =	swait.ge [sflag:s15], $0x4000  }
0x43: {  	s21 =	simm.s32 $0x200;
	s22 =	simm.s32 $0x400;
	[sflag:s15] =	ssyncset.done $0x0  }
.LBB2_4:
0x44: {  	s23 =	sshra.s32 s21, $0x2  }
0x45: {  	[sflag:s15] =	ssyncadd.s32 $0xFFFFC000;
	s21 =	smov.u32 s22;
	s24 =	sadd.s32 $0x200, s22  }
0x46: {  	[tilespmem:s14], [sflag:$0x1] =	stream.indirect.gather [hbm4b:s4+s17], $0x80, s23, s17, $0xb8;
	[tilespmem:$0x1D000] =	vst v63  }
0x47: {  	p0 =	sne.s32 s22, $0x9C00;
	_ =	swait.ge [sflag:s18], $0x4000  }
.Ltmp1:
0x48: {  	[sflag:s18] =	ssyncset.done $0x0;
	(pc) =	sbr.rel @p0 .LBB2_4-.Ltmp1, $4  }
0x49: {  	s22 =	sadd.s32 $0x2800, s23;
	[sflag:s18] =	ssyncadd.s32 $0xFFFFC000  }
0x4a: {  	[spmem:s2] =	stream.indirect.scatter.add.f32 [tilespmem:s14], [sflag:$0x2], $0x80, s22, s17, $0xb8;
	[tilespmem:$0x1D000] =	vst v63  }
0x4b: {  	_ =	swait.ge [sflag:s15], $0x4000  }
0x4c: {  	s22 =	smov.u32 s24;
	[sflag:s15] =	ssyncset.done $0x0  }
0x4d: {  	s21 =	sshra.s32 s21, $0x2;
	[sflag:s15] =	ssyncadd.s32 $0xFFFFC000  }
0x4e: {  	[tilespmem:s14], [sflag:$0x1] =	stream.indirect.gather [hbm4b:s4+s17], $0x80, s21, s17, $0xb8;
	[tilespmem:$0x1D000] =	vst v63  }
0x4f: {  	_ =	swait.ge [sflag:s18], $0x4000  }
0x50: {  	[sflag:s18] =	ssyncset.done $0x0  }
0x51: {  	s21 =	sadd.s32 $0x2800, s21;
	[sflag:s18] =	ssyncadd.s32 $0xFFFFC000  }
0x52: {  	[spmem:s2] =	stream.indirect.scatter.add.f32 [tilespmem:s14], [sflag:$0x2], $0x80, s21, s17, $0xb8;
	[tilespmem:$0x1D000] =	vst v63  }
0x53: {  	_ =	swait.ge [sflag:s15], $0x4000  }
0x54: {  	s3 =	sadd.s32 $0x1, s3;
	[sflag:s15] =	ssyncset.done $0x0  }
0x55: {  	p0 =	sne.s32 s3, s13;
	[sflag:s15] =	ssyncadd.s32 $0xFFFFC000  }
.Ltmp2:
0x56: {  	[bflag:$0x0] =	sbarrier.arrive $0xFFFF;
	(pc) =	sbr.rel @p0 .LBB2_1-.Ltmp2, $4  }
0x57: {  	[hbm:s12], [sflag:s19] =	dma.local [spmem:s20], $0x2800  }
0x58: {  	_ =	swait.ge [sflag:s15], $0x2800  }
0x59: {  	[sflag:s15] =	ssyncset.done $0x0  }
0x5a: {  	[sflag:s15] =	ssyncadd.s32 $0xFFFFD800  }
0x5b: {  	_ =	sfence.sel $0x180000  }
0x5c: {  	[bflag:$0x0] =	sbarrier.arrive $0xFFFF  }
0x5d: {  	p0 =	sne.s32 s0, $0x0;
	_ =	strace $0x9000004A  }
0x5e: {  	s0 =	sadd.s32 @!p0 $0x100000, s1;
	[bflag:$0x2] =	sbarrier.arrive $0xFFFF  }
0x5f: {  	[sflag:s0] =	ssyncadd.tile.s32 @!p0 $0x1;
	_ =	shalt  }
.Lfunc_end2:
_tile_overlayer_lowered:
.L_overlay_start_2:
0x60: {  	(tag) =	ssettag $0x2  }
0x61: {  	s0 =	rddreg [dreg:$0x0];
	s2 =	stileid.u32  }
0x62: {  	s1 =	rddreg [dreg:$0x1];
	p0 =	sne.s32 s2, $0x0  }
0x63: {  	s3 =	rddreg [dreg:$0x2];
	[bflag:$0x3] =	sbarrier.arrive $0xFFFF;
	s2 =	simm.s32 @!p0 $0x1C02  }
0x64: {  	[timem:s3], [sflag:s2] =	dma.local @!p0 [hbm:s0], s1  }
0x65: {  	s0 =	simm.s32 @!p0 $0x2  }
0x66: {  	_ =	swait.ge @!p0 [sflag:s0], s1  }
0x67: {  	s1 =	ssub.s32 @!p0 $0x0, s1;
	[sflag:s0] =	ssyncset.done @!p0 $0x0  }
0x68: {  	[sflag:s0] =	ssyncadd.s32 @!p0 s1  }
0x69: {  	[bflag:$0x3] =	sbarrier.arrive $0xFFFF  }
0x6a: {  	_ =	shalt  }

// kernel: kernel.15.cloned.1.call-start
scs
__scs_entry_jumppad:
0x0: {  	(pc) =	sbr.rel $0x88, $3  }
0x1: {  	(tag) =	ssettag $0x0;
	lr =	simm.s32 $0x1  }
0x2: {  	[smem:$0x3F92] =	sst lr;
	_ =	strace $0xD0000000  }
0x3: {  	_ = 	snop  }
0x4: {  	_ = 	snop  }
0x5: {  	_ = 	snop  }
0x6: {  	_ = 	snop  }
0x7: {  	_ = 	snop  }
__scs_overlays_trampoline_lowered:
0x8: {  	[smem:$0x3FA1] =	sst s0  }
0x9: {  	[smem:$0x3FA2] =	sst s1  }
0xa: {  	[smem:$0x3FA3] =	sst s2  }
0xb: {  	[smem:$0x3FA4] =	sst s3  }
0xc: {  	[smem:$0x3FA5] =	sst s4  }
0xd: {  	[smem:$0x3FA6] =	sst s5  }
0xe: {  	[smem:$0x3FA7] =	sst s6  }
0xf: {  	[smem:$0x3FA8] =	sst s7  }
0x10: {  	[smem:$0x3FA9] =	sst s8  }
0x11: {  	[smem:$0x3FAA] =	sst s9;
	s0 =	simm.s32 @!p0 $0x0  }
0x12: {  	s1 =	sld [smem:$0x3F90];
	s0 =	simm.s32 @p0 $0x1  }
0x13: {  	[smem:$0x3FAB] =	sst s0;
	s0 =	simm.s32 @!p1 $0x0  }
0x14: {  	s2 =	sld [smem:$0x3F8F];
	s0 =	simm.s32 @p1 $0x1  }
0x15: {  	[smem:$0x3FAC] =	sst s0;
	s0 =	simm.s32 @!p2 $0x0  }
0x16: {  	s3 =	sld [smem:$0x3FDB];
	s0 =	simm.s32 @p2 $0x1  }
0x17: {  	s4 =	simm.s32 $0x1BF5;
	[smem:$0x3FAE] =	sst s0  }
0x18: {  	s0 =	sld [smem:$0x3F91];
	_ =	swait.ge [sflag:s4], $0x0  }
0x19: {  	s7 =	sld [smem:$0x3F92]  }
0x1a: {  	s8 =	sadd.s32 $0xFFFFE003, lr  }
0x1b: {  	s9 =	sadd.s32 $0xFFFFFEF7, lr;
	s5 =	simm.s32 $0xFFFFFFFF;
	p2 =	slt.u32 s8, $0xFFFFF086  }
0x1c: {  	p1 =	slt.u32 s9, $0xF7A;
	s5 =	simm.s32 @!p2 $0x0  }
0x1d: {  	s5 =	simm.s32 @p1 $0x1;
	p0 =	seq.s32 s7, s2  }
0x1e: {  	s7 =	smul.u32 @!p0 $0xF7A, s2;
	p2 =	seq.s32 @!p0 s5, $0x0  }
0x1f: {  	s9 =	smul.u32 $0xF7A, s1;
	s8 =	simm.s32 @!p0 $0x1BF5;
	p2 =	por !p2, p0  }
0x20: {  	[sflag:s8] =	ssyncset.s32 @!p0 $0xFFFFF086;
	s6 =	sadd.s32 @!p0 s3, s7;
	s7 =	simm.s32 @!p0 $0x108  }
0x21: {  	s3 =	sadd.s32 s3, s9;
	s6 =	sadd.s32 @!p0 $0x88, s6;
	s7 =	simm.s32 @p2 $0x1082  }
0x22: {  	[simem:s7], [sflag:s8] =	dma.local @!p0 [hbm:s6], $0xF7A  }
0x23: {  	s9 =	sor.u32 $0xD0000000, s2;
	s6 =	simm.s32 $0x108;
	_ =	swait.ge @!p0 [sflag:s8], $0x0  }
0x24: {  	s3 =	sadd.s32 $0x88, s3;
	s6 =	simm.s32 @!p1 $0x1082;
	[sflag:s4] =	ssyncset.s32 $0xFFFFF086  }
0x25: {  	[simem:s6], [sflag:s4] =	dma.local [hbm:s3], $0xF7A  }
0x26: {  	[smem:$0x3F92] =	sst s1;
	(tag) =	ssettag s2;
	_ =	strace s9  }
0x27: {  	s1 =	sld [smem:$0x3FA2]  }
0x28: {  	s2 =	sld [smem:$0x3FA3]  }
0x29: {  	s4 =	sld [smem:$0x3FA5]  }
0x2a: {  	p0 =	seq.s32 s5, $0x0;
	s5 =	sld [smem:$0x3FA6]  }
0x2b: {  	s6 =	sld [smem:$0x3FA7]  }
0x2c: {  	s7 =	sld [smem:$0x3FA8]  }
0x2d: {  	s3 =	simm.s32 $0x108;
	s8 =	sld [smem:$0x3FA9]  }
0x2e: {  	s3 =	simm.s32 @!p0 $0x1082;
	s9 =	sld [smem:$0x3FAA]  }
0x2f: {  	lr =	sadd.s32 s0, s3;
	s0 =	sld [smem:$0x3FA1]  }
0x30: {  	s3 =	sld [smem:$0x3FA4]  }
0x31: {  	[smem:$0x3FAD] =	sst s10  }
0x32: {  	s10 =	sld [smem:$0x3FAB];
	_ =	sdelay $0x3  }
0x33: {  	p0 =	seq.s32 s10, $0x1;
	s10 =	sld [smem:$0x3FAD];
	_ =	sdelay $0x3  }
0x34: {  	[smem:$0x3FAD] =	sst s10  }
0x35: {  	s10 =	sld [smem:$0x3FAC];
	_ =	sdelay $0x3  }
0x36: {  	p1 =	seq.s32 s10, $0x1;
	s10 =	sld [smem:$0x3FAD];
	_ =	sdelay $0x3  }
0x37: {  	[smem:$0x3FAD] =	sst s10  }
0x38: {  	s10 =	sld [smem:$0x3FAE]  }
0x39: {  	_ = 	snop;
	(pc) =	sbr.ind lr, $3  }
0x3a: {  	_ = 	snop  }
0x3b: {  	_ = 	snop  }
0x3c: {  	p2 =	seq.s32 s10, $0x1;
	s10 =	sld [smem:$0x3FAD]  }
0x3d: {  	_ =	shalt  }
0x3e: {  	_ =	shalt  }
0x3f: {  	_ =	shalt  }
0x40: {  	_ =	shalt  }
0x41: {  	_ =	shalt  }
0x42: {  	_ =	shalt  }
0x43: {  	_ =	shalt  }
0x44: {  	_ =	shalt  }
0x45: {  	_ =	shalt  }
0x46: {  	_ =	shalt  }
0x47: {  	_ =	shalt  }
0x48: {  	_ =	shalt  }
0x49: {  	_ =	shalt  }
0x4a: {  	_ =	shalt  }
0x4b: {  	_ =	shalt  }
0x4c: {  	_ =	shalt  }
0x4d: {  	_ =	shalt  }
0x4e: {  	_ =	shalt  }
0x4f: {  	_ =	shalt  }
0x50: {  	_ =	shalt  }
0x51: {  	_ =	shalt  }
0x52: {  	_ =	shalt  }
0x53: {  	_ =	shalt  }
0x54: {  	_ =	shalt  }
0x55: {  	_ =	shalt  }
0x56: {  	_ =	shalt  }
0x57: {  	_ =	shalt  }
0x58: {  	_ =	shalt  }
0x59: {  	_ =	shalt  }
0x5a: {  	_ =	shalt  }
0x5b: {  	_ =	shalt  }
0x5c: {  	_ =	shalt  }
0x5d: {  	_ =	shalt  }
0x5e: {  	_ =	shalt  }
0x5f: {  	_ =	shalt  }
0x60: {  	_ =	shalt  }
0x61: {  	_ =	shalt  }
0x62: {  	_ =	shalt  }
0x63: {  	_ =	shalt  }
0x64: {  	_ =	shalt  }
0x65: {  	_ =	shalt  }
0x66: {  	_ =	shalt  }
0x67: {  	_ =	shalt  }
0x68: {  	_ =	shalt  }
0x69: {  	_ =	shalt  }
0x6a: {  	_ =	shalt  }
0x6b: {  	_ =	shalt  }
0x6c: {  	_ =	shalt  }
0x6d: {  	_ =	shalt  }
0x6e: {  	_ =	shalt  }
0x6f: {  	_ =	shalt  }
0x70: {  	_ =	shalt  }
0x71: {  	_ =	shalt  }
0x72: {  	_ =	shalt  }
0x73: {  	_ =	shalt  }
0x74: {  	_ =	shalt  }
0x75: {  	_ =	shalt  }
0x76: {  	_ =	shalt  }
0x77: {  	_ =	shalt  }
0x78: {  	_ =	shalt  }
0x79: {  	_ =	shalt  }
0x7a: {  	_ =	shalt  }
0x7b: {  	_ =	shalt  }
0x7c: {  	_ =	shalt  }
0x7d: {  	_ =	shalt  }
0x7e: {  	_ =	shalt  }
0x7f: {  	_ =	shalt  }
0x80: {  	_ =	shalt  }
0x81: {  	_ =	shalt  }
0x82: {  	_ =	shalt  }
0x83: {  	_ =	shalt  }
0x84: {  	_ =	shalt  }
0x85: {  	_ =	shalt  }
0x86: {  	_ =	shalt  }
0x87: {  	_ =	shalt  }
.Lfunc_end0:
.L_simem_size_0:
called_computation.2_lowered:
.L_overlay_start_0:
0x88: {  	s2 =	sld [smem:$0x3FD9]  }
0x89: {  	s3 =	sld [smem:$0x3FFE];
	_ =	sdelay $0x1  }
0x8a: {  	s1 =	srdreg.scid  }
0x8b: {  	s0 =	sand.u32 $0x1, s1  }
0x8c: {  	s17 =	sshll.u32 s0, $0xA;
	s2 =	sadd.s32 s3, s2  }
0x8d: {  	s2 =	sadd.s32 s2, s17  }
0x8e: {  	[smem:$0x3FB9] =	sst s2  }
0x8f: {  	_ = 	snop  }
0x90: {  	s2 =	sld [smem:$0x3FD0];
	(tm) =	ssettm $0x1  }
0x91: {  	s18 =	sld [smem:$0x3FFB];
	_ =	sdelay $0x3  }
0x92: {  	_ =	strace s18  }
0x93: {  	s3 =	sld [smem:$0x3FFC];
	_ =	sdelay $0x3  }
0x94: {  	_ =	strace s3  }
0x95: {  	s3 =	sld [smem:$0x3FFD];
	_ =	sdelay $0x3  }
0x96: {  	_ =	strace s3  }
0x97: {  	_ =	strace $0x8FFFFFFF  }
0x98: {  	s19 =	sld [smem:$0x3FDB];
	_ =	sdelay $0x1  }
0x99: {  	s4 =	simm.s32 $_scs_section_size  }
0x9a: {  	s5 =	simm.s32 $_size__tile_overlayer_lowered;
	s6 =	simm.s32 $_tile_overlayer_lowered  }
0x9b: {  	s22 =	simm.s32 $0x1BFF;
	s21 =	sshll.u32 s6, $0x1;
	s3 =	sadd.s32 s4, s19  }
0x9c: {  	s7 =	simm.s32 $0x0;
	s20 =	sshll.u32 s5, $0x1;
	s5 =	sadd.s32 s21, s3  }
0x9d: {  	[timem:s7], [sflag:s22] =	dma.local [hbm:s5], s20  }
0x9e: {  	_ =	swait.ge [sflag:s22], s20  }
0x9f: {  	s4 =	ssub.s32 $0x0, s20;
	[sflag:s22] =	ssyncset.done $0x0  }
0xa0: {  	[sflag:s22] =	ssyncadd.s32 s4;
	_ =	sdelay $0x1  }
0xa1: {  	s23 =	simm.s32 $0x1B8B  }
0xa2: {  	_ =	swait.ge [sflag:s23], $0x1  }
0xa3: {  	[sflag:s23] =	ssyncset.done $0x0  }
0xa4: {  	s25 =	simm.s32 $0x1B8E;
	s24 =	sld [smem:$0x3FFE];
	[sflag:s23] =	ssyncadd.s32 $0xFFFFFFFF  }
0xa5: {  	s26 =	simm.s32 $execute0_lowered;
	[smem:$0x3FD2] =	sst s25  }
0xa6: {  	s5 =	sshll.u32 s26, $0x1;
	_ =	strace $0x8000004C;
	[dreg:$0x1] =	wrdreg $0xFFFFFFFF  }
0xa7: {  	s28 =	simm.s32 $_size_execute0_lowered;
	s3 =	sadd.s32 s3, s5;
	[dreg:$0x0] =	wrdreg $0x0  }
0xa8: {  	s5 =	sshll.u32 s28, $0x1;
	[dreg:$0x2] =	wrdreg s3  }
0xa9: {  	[dreg:$0x3] =	wrdreg s5  }
0xaa: {  	[dreg:$0x4] =	wrdreg $0xC0  }
0xab: {  	_ =	task [dreg:s7], $0x5FFFF  }
0xac: {  	[dreg:$0x1] =	wrdreg $0xFFFFFFFF  }
0xad: {  	[dreg:$0x0] =	wrdreg $0x60  }
0xae: {  	[dreg:$0x2] =	wrdreg s24  }
0xaf: {  	[dreg:$0x3] =	wrdreg s2  }
0xb0: {  	[dreg:$0x4] =	wrdreg $0x9  }
0xb1: {  	_ =	task.clear_ibuf [dreg:s7], $0x5FFFF;
	_ =	strace $0x9000004C  }
0xb2: {  	s29 =	simm.s32 $0x9;
	_ =	strace $0x8000004E  }
0xb3: {  	_ =	swait.ge [sflag:s29], $0x1  }
0xb4: {  	[sflag:s29] =	ssyncadd.s32 $0xFFFFFFFF  }
0xb5: {  	_ =	strace $0x9000004E  }
0xb6: {  	_ =	sfence  }
0xb7: {  	s30 =	sld [smem:$0x0];
	_ =	sdelay $0x2  }
0xb8: {  	s31 =	sshll.u32 s1, $0xD;
	s1 =	sshrl.u32 s1, $0x2  }
0xb9: {  	s3 =	sand.u32 $0x4000, s31;
	s1 =	sadd.s32 s1, s30  }
0xba: {  	s0 =	sor.u32 s3, s0;
	s1 =	sshll.u32 s1, $0x11  }
0xbb: {  	s0 =	sor.u32 s1, s0  }
0xbc: {  	s0 =	sadd.s32 $0x8F2B, s0  }
0xbd: {  	[sflag:s0] =	ssyncadd.remote.s32 $0x1  }
0xbe: {  	_ =	sfence.sel $0xFFFF  }
0xbf: {  	[dreg:$0x0] =	wrdreg $0xFFFFFFFF;
	(pc) =	sbr.abs _section_cstart, $3  }
0xc0: {  	[dreg:$0x1] =	wrdreg $0xFFFFFFFF  }
0xc1: {  	_ =	task.clear_ibuf [dreg:s7], $0x2FFFF;
	_ =	strace $0x9FFFFFFF  }
0xc2: {  	(tm) =	ssettm $0x7FFFFFFF  }
0xc3: {  	_ =	shalt  }
tec
execute0_lowered:
.L_overlay_start_1:
0x0: {  	(tag) =	ssettag $0x1  }
0x1: {  	s1 =	srdreg.scid  }
0x2: {  	s0 =	stileid.u32;
	s12 =	sand.u32 $0x1, s1  }
0x3: {  	s13 =	rddreg [dreg:$0x0];
	s30 =	sshll.u32 s0, $0x8;
	s2 =	sshll.u32 s12, $0x7  }
0x4: {  	s5 =	rddreg [dreg:$0x1];
	s14 =	sor.u32 s2, s30  }
0x5: {  	s1 =	rddreg [dreg:$0x2];
	s2 =	simm.s32 $0x0;
	s6 =	sshrl.u32 s14, $0x3  }
0x6: {  	[smem:$0x7FF] =	sst s2;
	s3 =	sadd.s32 s6, s13  }
0x7: {  	_ =	strace $0x8000004D;
	s4 =	sadd.s32 $0x8EC00, s3;
	s3 =	simm.s32 $0x3  }
0x8: {  	[tilespmem:s2], [sflag:$0x3] =	stream.linear.gather [hbm4b:s4+s2], $0x80, $0x38;
	[tilespmem:$0x8100] =	vst v63  }
0x9: {  	_ =	swait.ge [sflag:s3], $0x80  }
0xa: {  	[sflag:s3] =	ssyncset.done $0x0  }
0xb: {  	s5 =	sadd.s32 s5, s6;
	s6 =	simm.s32 $0x80;
	[sflag:s3] =	ssyncadd.s32 $0xFFFFFF80  }
0xc: {  	[tilespmem:s6], [sflag:$0x3] =	stream.linear.gather [hbm4b:s5+s2], $0x80, $0x38;
	[tilespmem:$0x8100] =	vst v63  }
0xd: {  	_ =	swait.ge [sflag:s3], $0x80  }
0xe: {  	[sflag:s3] =	ssyncset.done $0x0  }
0xf: {  	s8 =	simm.s32 $0x100;
	s7 =	sadd.s32 $0x3A00, s13;
	[sflag:s3] =	ssyncadd.s32 $0xFFFFFF80  }
0x10: {  	[tilespmem:s8], [sflag:$0x1] =	stream.indirect.gather [hbm4b:s7+s6], $0x80, s2, s6, $0xb8;
	[tilespmem:$0x8100] =	vst v63  }
0x11: {  	s9 =	simm.s32 $0x4100;
	s10 =	simm.s32 $0x1  }
0x12: {  	[tilespmem:s9], [sflag:$0x2] =	stream.indirect.gather [hbm4b:s7+s6], $0x80, s6, s6, $0xb8;
	[tilespmem:$0x8100] =	vst v63  }
0x13: {  	_ =	swait.ge [sflag:s10], $0x4000  }
0x14: {  	[sflag:s10] =	ssyncset.done $0x0  }
0x15: {  	s11 =	simm.s32 $0x2;
	s31 =	ssub.s32 $0x2, s12;
	[sflag:s10] =	ssyncadd.s32 $0xFFFFC000  }
0x16: {  	s15 =	sshrl.u32 s31, $0x1;
	s14 =	sshll.u32 s14, $0x4;
	_ =	swait.ge [sflag:s11], $0x4000  }
0x17: {  	s13 =	sadd.s32 s14, s13;
	s14 =	ssub.s32 s31, s15;
	[sflag:s11] =	ssyncset.done $0x0  }
0x18: {  	s12 =	sadd.s32 $0x2AC00, s13;
	s14 =	smax.u32 s14, $0x1;
	[sflag:s11] =	ssyncadd.s32 $0xFFFFC000  }
0x19: {  	[hbm4b:s12+s2] =	stream.linear.scatter [tilespmem:s8], [sflag:$0x3], $0x4000, $0x38;
	[tilespmem:$0x8100] =	vst v63  }
0x1a: {  	p0 =	sne.s32 s14, $0x1;
	_ =	swait.ge [sflag:s3], $0x4000  }
.Ltmp0:
0x1b: {  	[sflag:s3] =	ssyncset.done $0x0;
	(pc) =	sbr.rel @!p0 .LBB2_2-.Ltmp0, $4  }
0x1c: {  	s13 =	sadd.s32 $0x3AC00, s13;
	[sflag:s3] =	ssyncadd.s32 $0xFFFFC000  }
0x1d: {  	[hbm4b:s13+s2] =	stream.linear.scatter [tilespmem:s9], [sflag:$0x3], $0x4000, $0x38;
	[tilespmem:$0x8100] =	vst v63  }
0x1e: {  	_ =	swait.ge [sflag:s3], $0x4000  }
0x1f: {  	s14 =	sadd.s32 $0xFFFFFFFF, s14;
	[sflag:s3] =	ssyncset.done $0x0  }
.LBB2_1:
0x20: {  	p0 =	sne.s32 s14, $0x1;
	s14 =	sadd.s32 $0xFFFFFFFF, s14;
	[sflag:s3] =	ssyncadd.s32 $0xFFFFC000  }
0x21: {  	[tilespmem:s2], [sflag:$0x3] =	stream.linear.gather [hbm4b:s4+s2], $0x80, $0x38;
	[tilespmem:$0x8100] =	vst v63  }
0x22: {  	_ =	swait.ge [sflag:s3], $0x80  }
0x23: {  	[sflag:s3] =	ssyncset.done $0x0  }
0x24: {  	[sflag:s3] =	ssyncadd.s32 $0xFFFFFF80  }
0x25: {  	[tilespmem:s6], [sflag:$0x3] =	stream.linear.gather [hbm4b:s5+s2], $0x80, $0x38;
	[tilespmem:$0x8100] =	vst v63  }
0x26: {  	_ =	swait.ge [sflag:s3], $0x80  }
0x27: {  	[sflag:s3] =	ssyncset.done $0x0  }
0x28: {  	[sflag:s3] =	ssyncadd.s32 $0xFFFFFF80  }
0x29: {  	[tilespmem:s8], [sflag:$0x1] =	stream.indirect.gather [hbm4b:s7+s6], $0x80, s2, s6, $0xb8;
	[tilespmem:$0x8100] =	vst v63  }
0x2a: {  	_ = 	snop  }
0x2b: {  	[tilespmem:s9], [sflag:$0x2] =	stream.indirect.gather [hbm4b:s7+s6], $0x80, s6, s6, $0xb8;
	[tilespmem:$0x8100] =	vst v63  }
0x2c: {  	_ =	swait.ge [sflag:s10], $0x4000  }
0x2d: {  	[sflag:s10] =	ssyncset.done $0x0  }
0x2e: {  	[sflag:s10] =	ssyncadd.s32 $0xFFFFC000  }
0x2f: {  	_ =	swait.ge [sflag:s11], $0x4000  }
0x30: {  	[sflag:s11] =	ssyncset.done $0x0  }
0x31: {  	[sflag:s11] =	ssyncadd.s32 $0xFFFFC000  }
0x32: {  	[hbm4b:s12+s2] =	stream.linear.scatter [tilespmem:s8], [sflag:$0x3], $0x4000, $0x38;
	[tilespmem:$0x8100] =	vst v63  }
0x33: {  	_ =	swait.ge [sflag:s3], $0x4000  }
.Ltmp1:
0x34: {  	[sflag:s3] =	ssyncset.done $0x0;
	(pc) =	sbr.rel @p0 .LBB2_1-.Ltmp1, $4  }
0x35: {  	[sflag:s3] =	ssyncadd.s32 $0xFFFFC000  }
0x36: {  	[hbm4b:s13+s2] =	stream.linear.scatter [tilespmem:s9], [sflag:$0x3], $0x4000, $0x38;
	[tilespmem:$0x8100] =	vst v63  }
0x37: {  	_ =	swait.ge [sflag:s3], $0x4000  }
0x38: {  	[sflag:s3] =	ssyncset.done $0x0  }
.LBB2_2:
0x39: {  	[sflag:s3] =	ssyncadd.s32 $0xFFFFC000  }
0x3a: {  	_ =	sfence.sel $0x180000  }
0x3b: {  	[bflag:$0x0] =	sbarrier.arrive $0xFFFF  }
0x3c: {  	p0 =	sne.s32 s0, $0x0;
	_ =	strace $0x9000004D  }
0x3d: {  	s0 =	sadd.s32 @!p0 $0x100000, s1;
	[bflag:$0x2] =	sbarrier.arrive $0xFFFF  }
0x3e: {  	[sflag:s0] =	ssyncadd.tile.s32 @!p0 $0x1;
	_ =	shalt  }
.Lfunc_end2:
_tile_overlayer_lowered:
.L_overlay_start_2:
0x3f: {  	(tag) =	ssettag $0x2  }
0x40: {  	s0 =	rddreg [dreg:$0x0];
	s2 =	stileid.u32  }
0x41: {  	s1 =	rddreg [dreg:$0x1];
	p0 =	sne.s32 s2, $0x0  }
0x42: {  	s3 =	rddreg [dreg:$0x2];
	[bflag:$0x3] =	sbarrier.arrive $0xFFFF;
	s2 =	simm.s32 @!p0 $0x1C03  }
0x43: {  	[timem:s3], [sflag:s2] =	dma.local @!p0 [hbm:s0], s1  }
0x44: {  	s0 =	simm.s32 @!p0 $0x3  }
0x45: {  	_ =	swait.ge @!p0 [sflag:s0], s1  }
0x46: {  	s1 =	ssub.s32 @!p0 $0x0, s1;
	[sflag:s0] =	ssyncset.done @!p0 $0x0  }
0x47: {  	[sflag:s0] =	ssyncadd.s32 @!p0 s1  }
0x48: {  	[bflag:$0x3] =	sbarrier.arrive $0xFFFF  }
0x49: {  	_ =	shalt  }

// kernel: kernel.9.cloned.1.call-start
scs
__scs_entry_jumppad:
0x0: {  	(pc) =	sbr.rel $0x88, $3  }
0x1: {  	(tag) =	ssettag $0x0;
	lr =	simm.s32 $0x1  }
0x2: {  	[smem:$0x3F92] =	sst lr;
	_ =	strace $0xD0000000  }
0x3: {  	_ = 	snop  }
0x4: {  	_ = 	snop  }
0x5: {  	_ = 	snop  }
0x6: {  	_ = 	snop  }
0x7: {  	_ = 	snop  }
__scs_overlays_trampoline_lowered:
0x8: {  	[smem:$0x3FA1] =	sst s0  }
0x9: {  	[smem:$0x3FA2] =	sst s1  }
0xa: {  	[smem:$0x3FA3] =	sst s2  }
0xb: {  	[smem:$0x3FA4] =	sst s3  }
0xc: {  	[smem:$0x3FA5] =	sst s4  }
0xd: {  	[smem:$0x3FA6] =	sst s5  }
0xe: {  	[smem:$0x3FA7] =	sst s6  }
0xf: {  	[smem:$0x3FA8] =	sst s7  }
0x10: {  	[smem:$0x3FA9] =	sst s8  }
0x11: {  	[smem:$0x3FAA] =	sst s9;
	s0 =	simm.s32 @!p0 $0x0  }
0x12: {  	s1 =	sld [smem:$0x3F90];
	s0 =	simm.s32 @p0 $0x1  }
0x13: {  	[smem:$0x3FAB] =	sst s0;
	s0 =	simm.s32 @!p1 $0x0  }
0x14: {  	s2 =	sld [smem:$0x3F8F];
	s0 =	simm.s32 @p1 $0x1  }
0x15: {  	[smem:$0x3FAC] =	sst s0;
	s0 =	simm.s32 @!p2 $0x0  }
0x16: {  	s3 =	sld [smem:$0x3FDB];
	s0 =	simm.s32 @p2 $0x1  }
0x17: {  	s4 =	simm.s32 $0x1BF5;
	[smem:$0x3FAE] =	sst s0  }
0x18: {  	s0 =	sld [smem:$0x3F91];
	_ =	swait.ge [sflag:s4], $0x0  }
0x19: {  	s7 =	sld [smem:$0x3F92]  }
0x1a: {  	s8 =	sadd.s32 $0xFFFFE003, lr  }
0x1b: {  	s9 =	sadd.s32 $0xFFFFFEF7, lr;
	s5 =	simm.s32 $0xFFFFFFFF;
	p2 =	slt.u32 s8, $0xFFFFF086  }
0x1c: {  	p1 =	slt.u32 s9, $0xF7A;
	s5 =	simm.s32 @!p2 $0x0  }
0x1d: {  	s5 =	simm.s32 @p1 $0x1;
	p0 =	seq.s32 s7, s2  }
0x1e: {  	s7 =	smul.u32 @!p0 $0xF7A, s2;
	p2 =	seq.s32 @!p0 s5, $0x0  }
0x1f: {  	s9 =	smul.u32 $0xF7A, s1;
	s8 =	simm.s32 @!p0 $0x1BF5;
	p2 =	por !p2, p0  }
0x20: {  	[sflag:s8] =	ssyncset.s32 @!p0 $0xFFFFF086;
	s6 =	sadd.s32 @!p0 s3, s7;
	s7 =	simm.s32 @!p0 $0x108  }
0x21: {  	s3 =	sadd.s32 s3, s9;
	s6 =	sadd.s32 @!p0 $0x88, s6;
	s7 =	simm.s32 @p2 $0x1082  }
0x22: {  	[simem:s7], [sflag:s8] =	dma.local @!p0 [hbm:s6], $0xF7A  }
0x23: {  	s9 =	sor.u32 $0xD0000000, s2;
	s6 =	simm.s32 $0x108;
	_ =	swait.ge @!p0 [sflag:s8], $0x0  }
0x24: {  	s3 =	sadd.s32 $0x88, s3;
	s6 =	simm.s32 @!p1 $0x1082;
	[sflag:s4] =	ssyncset.s32 $0xFFFFF086  }
0x25: {  	[simem:s6], [sflag:s4] =	dma.local [hbm:s3], $0xF7A  }
0x26: {  	[smem:$0x3F92] =	sst s1;
	(tag) =	ssettag s2;
	_ =	strace s9  }
0x27: {  	s1 =	sld [smem:$0x3FA2]  }
0x28: {  	s2 =	sld [smem:$0x3FA3]  }
0x29: {  	s4 =	sld [smem:$0x3FA5]  }
0x2a: {  	p0 =	seq.s32 s5, $0x0;
	s5 =	sld [smem:$0x3FA6]  }
0x2b: {  	s6 =	sld [smem:$0x3FA7]  }
0x2c: {  	s7 =	sld [smem:$0x3FA8]  }
0x2d: {  	s3 =	simm.s32 $0x108;
	s8 =	sld [smem:$0x3FA9]  }
0x2e: {  	s3 =	simm.s32 @!p0 $0x1082;
	s9 =	sld [smem:$0x3FAA]  }
0x2f: {  	lr =	sadd.s32 s0, s3;
	s0 =	sld [smem:$0x3FA1]  }
0x30: {  	s3 =	sld [smem:$0x3FA4]  }
0x31: {  	[smem:$0x3FAD] =	sst s10  }
0x32: {  	s10 =	sld [smem:$0x3FAB];
	_ =	sdelay $0x3  }
0x33: {  	p0 =	seq.s32 s10, $0x1;
	s10 =	sld [smem:$0x3FAD];
	_ =	sdelay $0x3  }
0x34: {  	[smem:$0x3FAD] =	sst s10  }
0x35: {  	s10 =	sld [smem:$0x3FAC];
	_ =	sdelay $0x3  }
0x36: {  	p1 =	seq.s32 s10, $0x1;
	s10 =	sld [smem:$0x3FAD];
	_ =	sdelay $0x3  }
0x37: {  	[smem:$0x3FAD] =	sst s10  }
0x38: {  	s10 =	sld [smem:$0x3FAE]  }
0x39: {  	_ = 	snop;
	(pc) =	sbr.ind lr, $3  }
0x3a: {  	_ = 	snop  }
0x3b: {  	_ = 	snop  }
0x3c: {  	p2 =	seq.s32 s10, $0x1;
	s10 =	sld [smem:$0x3FAD]  }
0x3d: {  	_ =	shalt  }
0x3e: {  	_ =	shalt  }
0x3f: {  	_ =	shalt  }
0x40: {  	_ =	shalt  }
0x41: {  	_ =	shalt  }
0x42: {  	_ =	shalt  }
0x43: {  	_ =	shalt  }
0x44: {  	_ =	shalt  }
0x45: {  	_ =	shalt  }
0x46: {  	_ =	shalt  }
0x47: {  	_ =	shalt  }
0x48: {  	_ =	shalt  }
0x49: {  	_ =	shalt  }
0x4a: {  	_ =	shalt  }
0x4b: {  	_ =	shalt  }
0x4c: {  	_ =	shalt  }
0x4d: {  	_ =	shalt  }
0x4e: {  	_ =	shalt  }
0x4f: {  	_ =	shalt  }
0x50: {  	_ =	shalt  }
0x51: {  	_ =	shalt  }
0x52: {  	_ =	shalt  }
0x53: {  	_ =	shalt  }
0x54: {  	_ =	shalt  }
0x55: {  	_ =	shalt  }
0x56: {  	_ =	shalt  }
0x57: {  	_ =	shalt  }
0x58: {  	_ =	shalt  }
0x59: {  	_ =	shalt  }
0x5a: {  	_ =	shalt  }
0x5b: {  	_ =	shalt  }
0x5c: {  	_ =	shalt  }
0x5d: {  	_ =	shalt  }
0x5e: {  	_ =	shalt  }
0x5f: {  	_ =	shalt  }
0x60: {  	_ =	shalt  }
0x61: {  	_ =	shalt  }
0x62: {  	_ =	shalt  }
0x63: {  	_ =	shalt  }
0x64: {  	_ =	shalt  }
0x65: {  	_ =	shalt  }
0x66: {  	_ =	shalt  }
0x67: {  	_ =	shalt  }
0x68: {  	_ =	shalt  }
0x69: {  	_ =	shalt  }
0x6a: {  	_ =	shalt  }
0x6b: {  	_ =	shalt  }
0x6c: {  	_ =	shalt  }
0x6d: {  	_ =	shalt  }
0x6e: {  	_ =	shalt  }
0x6f: {  	_ =	shalt  }
0x70: {  	_ =	shalt  }
0x71: {  	_ =	shalt  }
0x72: {  	_ =	shalt  }
0x73: {  	_ =	shalt  }
0x74: {  	_ =	shalt  }
0x75: {  	_ =	shalt  }
0x76: {  	_ =	shalt  }
0x77: {  	_ =	shalt  }
0x78: {  	_ =	shalt  }
0x79: {  	_ =	shalt  }
0x7a: {  	_ =	shalt  }
0x7b: {  	_ =	shalt  }
0x7c: {  	_ =	shalt  }
0x7d: {  	_ =	shalt  }
0x7e: {  	_ =	shalt  }
0x7f: {  	_ =	shalt  }
0x80: {  	_ =	shalt  }
0x81: {  	_ =	shalt  }
0x82: {  	_ =	shalt  }
0x83: {  	_ =	shalt  }
0x84: {  	_ =	shalt  }
0x85: {  	_ =	shalt  }
0x86: {  	_ =	shalt  }
0x87: {  	_ =	shalt  }
.Lfunc_end0:
.L_simem_size_0:
called_computation_lowered:
.L_overlay_start_0:
0x88: {  	s2 =	sld [smem:$0x3FD9]  }
0x89: {  	s3 =	sld [smem:$0x3FFE];
	_ =	sdelay $0x1  }
0x8a: {  	s1 =	srdreg.scid  }
0x8b: {  	s0 =	sand.u32 $0x1, s1  }
0x8c: {  	s16 =	sshll.u32 s0, $0xA;
	s2 =	sadd.s32 s3, s2  }
0x8d: {  	s2 =	sadd.s32 s2, s16  }
0x8e: {  	[smem:$0x3FB9] =	sst s2  }
0x8f: {  	_ = 	snop  }
0x90: {  	(tm) =	ssettm $0x1  }
0x91: {  	s17 =	sld [smem:$0x3FFB];
	_ =	sdelay $0x3  }
0x92: {  	_ =	strace s17  }
0x93: {  	s2 =	sld [smem:$0x3FFC];
	_ =	sdelay $0x3  }
0x94: {  	_ =	strace s2  }
0x95: {  	s2 =	sld [smem:$0x3FFD];
	_ =	sdelay $0x3  }
0x96: {  	_ =	strace s2  }
0x97: {  	_ =	strace $0x8FFFFFFF  }
0x98: {  	s18 =	sld [smem:$0x3FDB];
	_ =	sdelay $0x1  }
0x99: {  	s19 =	simm.s32 $_scs_section_size  }
0x9a: {  	s4 =	simm.s32 $_size__tile_overlayer_lowered;
	s5 =	simm.s32 $_tile_overlayer_lowered  }
0x9b: {  	s22 =	simm.s32 $0x1BFF;
	s21 =	sshll.u32 s5, $0x1;
	s2 =	sadd.s32 s19, s18  }
0x9c: {  	s6 =	simm.s32 $0x0;
	s20 =	sshll.u32 s4, $0x1;
	s4 =	sadd.s32 s21, s2  }
0x9d: {  	[timem:s6], [sflag:s22] =	dma.local [hbm:s4], s20  }
0x9e: {  	_ =	swait.ge [sflag:s22], s20  }
0x9f: {  	s3 =	ssub.s32 $0x0, s20;
	[sflag:s22] =	ssyncset.done $0x0  }
0xa0: {  	[sflag:s22] =	ssyncadd.s32 s3;
	_ =	sdelay $0x1  }
0xa1: {  	s23 =	simm.s32 $0x1B8B  }
0xa2: {  	_ =	swait.ge [sflag:s23], $0x1  }
0xa3: {  	[sflag:s23] =	ssyncset.done $0x0  }
0xa4: {  	s25 =	simm.s32 $0x1B8E;
	s24 =	sld [smem:$0x3FFE];
	[sflag:s23] =	ssyncadd.s32 $0xFFFFFFFF  }
0xa5: {  	s26 =	simm.s32 $execute0_lowered;
	[smem:$0x3FD2] =	sst s25  }
0xa6: {  	s4 =	sshll.u32 s26, $0x1;
	_ =	strace $0x80000046;
	[dreg:$0x1] =	wrdreg $0xFFFFFFFF  }
0xa7: {  	s28 =	simm.s32 $_size_execute0_lowered;
	s2 =	sadd.s32 s2, s4;
	[dreg:$0x0] =	wrdreg $0x0  }
0xa8: {  	s4 =	sshll.u32 s28, $0x1;
	[dreg:$0x2] =	wrdreg s2  }
0xa9: {  	[dreg:$0x3] =	wrdreg s4  }
0xaa: {  	[dreg:$0x4] =	wrdreg $0xC0  }
0xab: {  	_ =	task [dreg:s6], $0x5FFFF  }
0xac: {  	[dreg:$0x1] =	wrdreg $0xFFFFFFFF  }
0xad: {  	[dreg:$0x0] =	wrdreg $0x60  }
0xae: {  	[dreg:$0x2] =	wrdreg s24  }
0xaf: {  	[dreg:$0x3] =	wrdreg $0x90000  }
0xb0: {  	[dreg:$0x4] =	wrdreg $0x9  }
0xb1: {  	_ =	task.clear_ibuf [dreg:s6], $0x5FFFF;
	_ =	strace $0x90000046  }
0xb2: {  	s29 =	simm.s32 $0x9;
	_ =	strace $0x80000048  }
0xb3: {  	_ =	swait.ge [sflag:s29], $0x1  }
0xb4: {  	[sflag:s29] =	ssyncadd.s32 $0xFFFFFFFF  }
0xb5: {  	_ =	strace $0x90000048  }
0xb6: {  	_ =	sfence  }
0xb7: {  	s30 =	sld [smem:$0x0];
	_ =	sdelay $0x2  }
0xb8: {  	s31 =	sshll.u32 s1, $0xD;
	s1 =	sshrl.u32 s1, $0x2  }
0xb9: {  	s3 =	sand.u32 $0x4000, s31;
	s1 =	sadd.s32 s1, s30  }
0xba: {  	s0 =	sor.u32 s3, s0;
	s1 =	sshll.u32 s1, $0x11  }
0xbb: {  	s0 =	sor.u32 s1, s0  }
0xbc: {  	s0 =	sadd.s32 $0x8F2B, s0  }
0xbd: {  	[sflag:s0] =	ssyncadd.remote.s32 $0x1  }
0xbe: {  	_ =	sfence.sel $0xFFFF  }
0xbf: {  	[dreg:$0x0] =	wrdreg $0xFFFFFFFF;
	(pc) =	sbr.abs _section_cstart, $3  }
0xc0: {  	[dreg:$0x1] =	wrdreg $0xFFFFFFFF  }
0xc1: {  	_ =	task.clear_ibuf [dreg:s6], $0x2FFFF;
	_ =	strace $0x9FFFFFFF  }
0xc2: {  	(tm) =	ssettm $0x7FFFFFFF  }
0xc3: {  	_ =	shalt  }
tec
execute0_lowered:
.L_overlay_start_1:
0x0: {  	(tag) =	ssettag $0x1  }
0x1: {  	s1 =	srdreg.scid;
	s6 =	rddreg [dreg:$0x0]  }
0x2: {  	s0 =	stileid.u32;
	s2 =	rddreg [dreg:$0x1];
	s3 =	simm.s32 $0x0  }
0x3: {  	s14 =	simm.s32 $0x5000;
	s15 =	simm.s32 $0x2;
	s16 =	simm.s32 $0x2800  }
0x4: {  	s17 =	simm.s32 $0x80;
	s18 =	simm.s32 $0x1;
	s5 =	sand.u32 $0x1, s1  }
0x5: {  	s26 =	sshll.u32 s0, $0x1;
	s9 =	smul.u32 $0x14000, s0;
	[smem:$0x7FF] =	sst s3  }
0x6: {  	s10 =	smul.u32 $0x50000, s0;
	s4 =	sadd.s32 $0x17A00, s6;
	s19 =	sshll.u32 s0, $0x6  }
0x7: {  	s1 =	sor.u32 s5, s26;
	s8 =	smul.u32 $0x140000, s5;
	s29 =	ssub.s32 $0x2, s5  }
0x8: {  	s19 =	sor.u32 $0x1C02, s19;
	s7 =	smul.u32 $0x500, s1;
	s1 =	rddreg [dreg:$0x2]  }
0x9: {  	_ =	strace $0x80000047;
	s30 =	sshrl.u32 s10, $0x2;
	s31 =	sshrl.u32 s29, $0x1  }
0xa: {  	s28 =	sadd.s32 s9, s8;
	s5 =	sadd.s32 s30, s2;
	s13 =	ssub.s32 s29, s31  }
0xb: {  	s11 =	sadd.s32 s7, s6;
	s7 =	sshrl.u32 s28, $0x3;
	s8 =	sadd.s32 $0xC000, s5  }
0xc: {  	s9 =	sadd.s32 $0x10000, s5;
	s13 =	smax.u32 s13, $0x1;
	s20 =	sshrl.u32 s5, $0x3  }
0xd: {  	s12 =	sadd.s32 s7, s6;
	s6 =	sadd.s32 $0x4000, s5;
	s7 =	sadd.s32 $0x8000, s5  }
0xe: {  	v0 =	vimm.f32 $0.0e+00;
	s10 =	sadd.s32 $0xDA00, s11;
	s11 =	sadd.s32 $0x3A00, s11;
	s12 =	sadd.s32 $0x3EC00, s12  }
.LBB2_1:
0xf: {  	s21 =	simm.s32 $0x0;
	s22 =	simm.s32 $0x200  }
.LBB2_2:
0x10: {  	p0 =	sne.s32 s22, $0xFE00;
	[tilespmem:s21+$0x5070] =	vst v0  }
0x11: {  	[tilespmem:s21+$0x5000] =	vst v0  }
0x12: {  	[tilespmem:s21+$0x5010] =	vst v0  }
.Ltmp0:
0x13: {  	[tilespmem:s21+$0x5020] =	vst v0;
	(pc) =	sbr.rel @p0 .LBB2_2-.Ltmp0, $4  }
0x14: {  	[tilespmem:s21+$0x5030] =	vst v0  }
0x15: {  	[tilespmem:s21+$0x5040] =	vst v0  }
0x16: {  	[tilespmem:s21+$0x5050] =	vst v0  }
0x17: {  	[tilespmem:s21+$0x5060] =	vst v0;
	s21 =	sshra.s32 s22, $0x2;
	s22 =	sadd.s32 $0x200, s22  }
0x18: {  	[tilespmem:s21+$0x5070] =	vst v0  }
0x19: {  	[tilespmem:s21+$0x5000] =	vst v0  }
0x1a: {  	[tilespmem:s21+$0x5010] =	vst v0  }
0x1b: {  	[tilespmem:s21+$0x5020] =	vst v0  }
0x1c: {  	[tilespmem:s21+$0x5030] =	vst v0  }
0x1d: {  	[tilespmem:s21+$0x5040] =	vst v0  }
0x1e: {  	[tilespmem:s21+$0x5050] =	vst v0  }
0x1f: {  	[tilespmem:s21+$0x5060] =	vst v0  }
0x20: {  	[spmem:s5] =	stream.linear.scatter [tilespmem:s14], [sflag:$0x2], $0x4000, $0x38;
	[tilespmem:$0x1D000] =	vst v63  }
0x21: {  	_ =	swait.ge [sflag:s15], $0x4000  }
0x22: {  	[sflag:s15] =	ssyncset.done $0x0  }
0x23: {  	[sflag:s15] =	ssyncadd.s32 $0xFFFFC000  }
0x24: {  	[spmem:s6] =	stream.linear.scatter [tilespmem:s14], [sflag:$0x2], $0x4000, $0x38;
	[tilespmem:$0x1D000] =	vst v63  }
0x25: {  	_ =	swait.ge [sflag:s15], $0x4000  }
0x26: {  	[sflag:s15] =	ssyncset.done $0x0  }
0x27: {  	[sflag:s15] =	ssyncadd.s32 $0xFFFFC000  }
0x28: {  	[spmem:s7] =	stream.linear.scatter [tilespmem:s14], [sflag:$0x2], $0x4000, $0x38;
	[tilespmem:$0x1D000] =	vst v63  }
0x29: {  	_ =	swait.ge [sflag:s15], $0x4000  }
0x2a: {  	[sflag:s15] =	ssyncset.done $0x0  }
0x2b: {  	[sflag:s15] =	ssyncadd.s32 $0xFFFFC000  }
0x2c: {  	[spmem:s8] =	stream.linear.scatter [tilespmem:s14], [sflag:$0x2], $0x4000, $0x38;
	[tilespmem:$0x1D000] =	vst v63  }
0x2d: {  	_ =	swait.ge [sflag:s15], $0x4000  }
0x2e: {  	[sflag:s15] =	ssyncset.done $0x0  }
0x2f: {  	[sflag:s15] =	ssyncadd.s32 $0xFFFFC000  }
0x30: {  	[spmem:s9] =	stream.linear.scatter [tilespmem:s14], [sflag:$0x2], $0x4000, $0x38;
	[tilespmem:$0x1D000] =	vst v63  }
0x31: {  	_ =	swait.ge [sflag:s15], $0x4000  }
0x32: {  	[sflag:s15] =	ssyncset.done $0x0  }
0x33: {  	[sflag:s15] =	ssyncadd.s32 $0xFFFFC000  }
0x34: {  	s29 =	simm.s32 $0x0;
	[bflag:$0x0] =	sbarrier.arrive $0xFFFF  }
0x35: {  	[tilespmem:s29], [sflag:$0x2] =	stream.linear.gather [hbm4b:s10+s29], $0x2780, $0x38;
	[tilespmem:$0x1D000] =	vst v63  }
0x36: {  	_ =	swait.ge [sflag:s15], $0x2780  }
0x37: {  	[sflag:s15] =	ssyncset.done $0x0  }
0x38: {  	[sflag:s15] =	ssyncadd.s32 $0xFFFFD880  }
0x39: {  	[tilespmem:s16], [sflag:$0x2] =	stream.linear.gather [hbm4b:s11+s29], $0x2780, $0x38;
	[tilespmem:$0x1D000] =	vst v63  }
0x3a: {  	_ =	swait.ge [sflag:s15], $0x2780  }
0x3b: {  	[sflag:s15] =	ssyncset.done $0x0  }
0x3c: {  	s30 =	simm.s32 $0x0;
	[sflag:s15] =	ssyncadd.s32 $0xFFFFD880  }
0x3d: {  	[tilespmem:s14], [sflag:$0x1] =	stream.indirect.gather [hbm4b:s4+s17], $0x80, s30, s17, $0xb8;
	[tilespmem:$0x1D000] =	vst v63  }
0x3e: {  	_ =	swait.ge [sflag:s18], $0x4000  }
0x3f: {  	[sflag:s18] =	ssyncset.done $0x0  }
0x40: {  	s31 =	simm.s32 $0x2800;
	[sflag:s18] =	ssyncadd.s32 $0xFFFFC000  }
0x41: {  	[spmem:s2] =	stream.indirect.scatter.add.f32 [tilespmem:s14], [sflag:$0x2], $0x80, s31, s17, $0xb8;
	[tilespmem:$0x1D000] =	vst v63  }
0x42: {  	_ =	swait.ge [sflag:s15], $0x4000  }
0x43: {  	s21 =	simm.s32 $0x200;
	s22 =	simm.s32 $0x400;
	[sflag:s15] =	ssyncset.done $0x0  }
.LBB2_4:
0x44: {  	s23 =	sshra.s32 s21, $0x2  }
0x45: {  	[sflag:s15] =	ssyncadd.s32 $0xFFFFC000;
	s21 =	smov.u32 s22;
	s24 =	sadd.s32 $0x200, s22  }
0x46: {  	[tilespmem:s14], [sflag:$0x1] =	stream.indirect.gather [hbm4b:s4+s17], $0x80, s23, s17, $0xb8;
	[tilespmem:$0x1D000] =	vst v63  }
0x47: {  	p0 =	sne.s32 s22, $0x9C00;
	_ =	swait.ge [sflag:s18], $0x4000  }
.Ltmp1:
0x48: {  	[sflag:s18] =	ssyncset.done $0x0;
	(pc) =	sbr.rel @p0 .LBB2_4-.Ltmp1, $4  }
0x49: {  	s22 =	sadd.s32 $0x2800, s23;
	[sflag:s18] =	ssyncadd.s32 $0xFFFFC000  }
0x4a: {  	[spmem:s2] =	stream.indirect.scatter.add.f32 [tilespmem:s14], [sflag:$0x2], $0x80, s22, s17, $0xb8;
	[tilespmem:$0x1D000] =	vst v63  }
0x4b: {  	_ =	swait.ge [sflag:s15], $0x4000  }
0x4c: {  	s22 =	smov.u32 s24;
	[sflag:s15] =	ssyncset.done $0x0  }
0x4d: {  	s21 =	sshra.s32 s21, $0x2;
	[sflag:s15] =	ssyncadd.s32 $0xFFFFC000  }
0x4e: {  	[tilespmem:s14], [sflag:$0x1] =	stream.indirect.gather [hbm4b:s4+s17], $0x80, s21, s17, $0xb8;
	[tilespmem:$0x1D000] =	vst v63  }
0x4f: {  	_ =	swait.ge [sflag:s18], $0x4000  }
0x50: {  	[sflag:s18] =	ssyncset.done $0x0  }
0x51: {  	s21 =	sadd.s32 $0x2800, s21;
	[sflag:s18] =	ssyncadd.s32 $0xFFFFC000  }
0x52: {  	[spmem:s2] =	stream.indirect.scatter.add.f32 [tilespmem:s14], [sflag:$0x2], $0x80, s21, s17, $0xb8;
	[tilespmem:$0x1D000] =	vst v63  }
0x53: {  	_ =	swait.ge [sflag:s15], $0x4000  }
0x54: {  	s3 =	sadd.s32 $0x1, s3;
	[sflag:s15] =	ssyncset.done $0x0  }
0x55: {  	p0 =	sne.s32 s3, s13;
	[sflag:s15] =	ssyncadd.s32 $0xFFFFC000  }
.Ltmp2:
0x56: {  	[bflag:$0x0] =	sbarrier.arrive $0xFFFF;
	(pc) =	sbr.rel @p0 .LBB2_1-.Ltmp2, $4  }
0x57: {  	[hbm:s12], [sflag:s19] =	dma.local [spmem:s20], $0x2800  }
0x58: {  	_ =	swait.ge [sflag:s15], $0x2800  }
0x59: {  	[sflag:s15] =	ssyncset.done $0x0  }
0x5a: {  	[sflag:s15] =	ssyncadd.s32 $0xFFFFD800  }
0x5b: {  	_ =	sfence.sel $0x180000  }
0x5c: {  	[bflag:$0x0] =	sbarrier.arrive $0xFFFF  }
0x5d: {  	p0 =	sne.s32 s0, $0x0;
	_ =	strace $0x90000047  }
0x5e: {  	s0 =	sadd.s32 @!p0 $0x100000, s1;
	[bflag:$0x2] =	sbarrier.arrive $0xFFFF  }
0x5f: {  	[sflag:s0] =	ssyncadd.tile.s32 @!p0 $0x1;
	_ =	shalt  }
.Lfunc_end2:
_tile_overlayer_lowered:
.L_overlay_start_2:
0x60: {  	(tag) =	ssettag $0x2  }
0x61: {  	s0 =	rddreg [dreg:$0x0];
	s2 =	stileid.u32  }
0x62: {  	s1 =	rddreg [dreg:$0x1];
	p0 =	sne.s32 s2, $0x0  }
0x63: {  	s3 =	rddreg [dreg:$0x2];
	[bflag:$0x3] =	sbarrier.arrive $0xFFFF;
	s2 =	simm.s32 @!p0 $0x1C02  }
0x64: {  	[timem:s3], [sflag:s2] =	dma.local @!p0 [hbm:s0], s1  }
0x65: {  	s0 =	simm.s32 @!p0 $0x2  }
0x66: {  	_ =	swait.ge @!p0 [sflag:s0], s1  }
0x67: {  	s1 =	ssub.s32 @!p0 $0x0, s1;
	[sflag:s0] =	ssyncset.done @!p0 $0x0  }
0x68: {  	[sflag:s0] =	ssyncadd.s32 @!p0 s1  }
0x69: {  	[bflag:$0x3] =	sbarrier.arrive $0xFFFF  }
0x6a: {  	_ =	shalt  }

</sc_bundles>
